<compile_context>
chip_gen: v7x
topology: tpu7x:2x2x1
jax: 0.10.2.dev20260603
libtpu: 0.0.44.dev20260713+nightly
codegen_flags: <defaults>
</compile_context>

<pallas_src>
import functools

import jax
import jax.numpy as jnp
from jax import lax
from jax.experimental import pallas as pl
from jax.experimental.pallas import tpu as pltpu
from jax.experimental.pallas import tpu_sc as plsc

H = 128
NV = 10000
NS = 10000
E = 320000

_NC = 2
_NSUB = 16
_NW = _NC * _NSUB
_L = 16
_B = 128

_ROWS = 1000



def _zero_rows(rows, d):
    def zrow(r, carry):
        for j in range(d // _L):
            rows[r, pl.ds(j * _L, _L)] = jnp.zeros((_L,), jnp.float32)
        return carry
    lax.fori_loop(0, _B, zrow, 0)


def _fill_stripe(rows, acc, base, count):
    nfull = count // _B
    rem = count - nfull * _B
    for t in range(nfull):
        pltpu.sync_copy(rows, acc.at[pl.ds(base + t * _B, _B)])
    if rem:
        pltpu.sync_copy(rows.at[pl.ds(0, rem)],
                        acc.at[pl.ds(base + nfull * _B, rem)])


@functools.partial(jax.jit, static_argnames=("n", "d", "gather"))
def _sc_segsum(x, src, dst, *, n, d, gather=True):
    total_e = src.shape[0]
    nb = total_e // _B
    assert total_e % _B == 0
    maxit = (nb + _NW - 1) // _NW
    stripe = (n // _NSUB) // 8 * 8
    tail_base = stripe * _NSUB
    tail = n - tail_base
    mesh = plsc.VectorSubcoreMesh(core_axis_name="c", subcore_axis_name="s")

    @functools.partial(
        pl.kernel,
        mesh=mesh,
        out_type=[jax.ShapeDtypeStruct((n, d), jnp.float32),
                  jax.ShapeDtypeStruct((n, d), jnp.float32)],
        scratch_types=[
            pltpu.VMEM((_B,), jnp.int32),
            pltpu.VMEM((_B,), jnp.int32),
            pltpu.VMEM((_B, d), jnp.float32),
            pltpu.VMEM_SHARED((n, d), jnp.float32),
            pltpu.SemaphoreType.DMA,
        ],
    )
    def k(x_hbm, src_hbm, dst_hbm, out0, out1, idx_s, idx_d, rows, acc, sem):
        c = lax.axis_index("c")
        s = lax.axis_index("s")
        w = s * _NC + c
        _zero_rows(rows, d)
        base = s * stripe
        _fill_stripe(rows, acc, base, stripe)
        if tail:
            @pl.when(s == _NSUB - 1)
            def _():
                _fill_stripe(rows, acc, tail_base, tail)
        plsc.subcore_barrier()

        if not gather:
            def orow(r, carry):
                for j in range(d // _L):
                    rows[r, pl.ds(j * _L, _L)] = jnp.ones((_L,), jnp.float32)
                return carry
            lax.fori_loop(0, _B, orow, 0)

        def body(i, carry):
            t = w + i * _NW

            @pl.when(t < nb)
            def _():
                off = t * _B
                pltpu.sync_copy(dst_hbm.at[pl.ds(off, _B)], idx_d)
                if gather:
                    pltpu.sync_copy(src_hbm.at[pl.ds(off, _B)], idx_s)
                    pltpu.async_copy(x_hbm.at[idx_s], rows, sem).wait()
                pltpu.sync_copy(rows, acc.at[idx_d], add=True)
            return carry

        lax.fori_loop(0, maxit, body, 0)
        plsc.subcore_barrier()

        @pl.when(c == 0)
        def _():
            pltpu.sync_copy(acc.at[pl.ds(base, stripe)],
                            out0.at[pl.ds(base, stripe)])
            if tail:
                @pl.when(s == _NSUB - 1)
                def _():
                    pltpu.sync_copy(acc.at[pl.ds(tail_base, tail)],
                                    out0.at[pl.ds(tail_base, tail)])

        @pl.when(c == 1)
        def _():
            pltpu.sync_copy(acc.at[pl.ds(base, stripe)],
                            out1.at[pl.ds(base, stripe)])
            if tail:
                @pl.when(s == _NSUB - 1)
                def _():
                    pltpu.sync_copy(acc.at[pl.ds(tail_base, tail)],
                                    out1.at[pl.ds(tail_base, tail)])

    return k(x, src, dst)


def _sc_counts(dst, n):
    dummy = jnp.zeros((8, H), jnp.float32)
    return _sc_segsum(dummy, dst, dst, n=n, d=H, gather=False)



def _sage_dense_body(p0_ref, p1_ref, c0_ref, c1_ref, x_ref, wl_ref, wr_ref,
                     b_ref, o_ref):
    cnt = c0_ref[...][:, :1] + c1_ref[...][:, :1]
    mean = (p0_ref[...] + p1_ref[...]) / jnp.maximum(cnt, 1.0)
    acc = jnp.dot(mean, wl_ref[...], preferred_element_type=jnp.float32)
    acc = acc + jnp.dot(x_ref[...], wr_ref[...], preferred_element_type=jnp.float32)
    o_ref[...] = jnp.maximum(acc + b_ref[...], 0.0)


def _sage_dense(p0, p1, c0, c1, x, Wl, Wr, b):
    n = x.shape[0]
    d = p0.shape[1]
    dout = Wl.shape[1]
    return pl.pallas_call(
        _sage_dense_body,
        grid=(n // _ROWS,),
        in_specs=[
            pl.BlockSpec((_ROWS, d), lambda i: (i, 0)),
            pl.BlockSpec((_ROWS, d), lambda i: (i, 0)),
            pl.BlockSpec((_ROWS, H), lambda i: (i, 0)),
            pl.BlockSpec((_ROWS, H), lambda i: (i, 0)),
            pl.BlockSpec((_ROWS, d), lambda i: (i, 0)),
            pl.BlockSpec((d, dout), lambda i: (0, 0)),
            pl.BlockSpec((d, dout), lambda i: (0, 0)),
            pl.BlockSpec((1, dout), lambda i: (0, 0)),
        ],
        out_specs=pl.BlockSpec((_ROWS, dout), lambda i: (i, 0)),
        out_shape=jax.ShapeDtypeStruct((n, dout), jnp.float32),
    )(p0, p1, c0, c1, x, Wl, Wr, b.reshape(1, dout))


def _dis_block(c0_ref, c1_ref):
    cnt = c0_ref[...][:, :1] + c1_ref[...][:, :1]
    return jnp.where(cnt > 0, lax.rsqrt(jnp.maximum(cnt, 1e-12)), 0.0)


def _tag_pre_body(x_ref, c0_ref, c1_ref, o_ref):
    o_ref[...] = x_ref[...] * _dis_block(c0_ref, c1_ref)


def _tag_pre(xpad, c0, c1):
    n = xpad.shape[0]
    return pl.pallas_call(
        _tag_pre_body,
        grid=(n // _ROWS,),
        in_specs=[pl.BlockSpec((_ROWS, H), lambda i: (i, 0))] * 3,
        out_specs=pl.BlockSpec((_ROWS, H), lambda i: (i, 0)),
        out_shape=jax.ShapeDtypeStruct((n, H), jnp.float32),
    )(xpad, c0, c1)


def _tag_hop_body(s0_ref, s1_ref, c0_ref, c1_ref, o_ref):
    dis = _dis_block(c0_ref, c1_ref)
    o_ref[...] = (s0_ref[...] + s1_ref[...]) * (dis * dis)


def _tag_hop_scale(s0, s1, c0, c1):
    n = s0.shape[0]
    return pl.pallas_call(
        _tag_hop_body,
        grid=(n // _ROWS,),
        in_specs=[pl.BlockSpec((_ROWS, H), lambda i: (i, 0))] * 4,
        out_specs=pl.BlockSpec((_ROWS, H), lambda i: (i, 0)),
        out_shape=jax.ShapeDtypeStruct((n, H), jnp.float32),
    )(s0, s1, c0, c1)


def _tag_dense_body(x_ref, s10_ref, s11_ref, s20_ref, s21_ref, s30_ref,
                    s31_ref, c0_ref, c1_ref, w_ref, b_ref, o_ref):
    dis = _dis_block(c0_ref, c1_ref)
    acc = jnp.dot(x_ref[...], w_ref[0:H, :], preferred_element_type=jnp.float32)
    for k, (a_ref, b2_ref) in enumerate(
            ((s10_ref, s11_ref), (s20_ref, s21_ref), (s30_ref, s31_ref))):
        h = (a_ref[...] + b2_ref[...]) * dis
        acc = acc + jnp.dot(h, w_ref[(k + 1) * H:(k + 2) * H, :],
                            preferred_element_type=jnp.float32)
    o_ref[...] = jnp.maximum(acc + b_ref[...], 0.0)


def _tag_dense(xpad, hops, c0, c1, Wstack, b):
    n = xpad.shape[0]
    (s10, s11), (s20, s21), (s30, s31) = hops
    return pl.pallas_call(
        _tag_dense_body,
        grid=(n // _ROWS,),
        in_specs=[pl.BlockSpec((_ROWS, H), lambda i: (i, 0))] * 9 + [
            pl.BlockSpec((4 * H, H), lambda i: (0, 0)),
            pl.BlockSpec((1, H), lambda i: (0, 0)),
        ],
        out_specs=pl.BlockSpec((_ROWS, H), lambda i: (i, 0)),
        out_shape=jax.ShapeDtypeStruct((n, H), jnp.float32),
    )(xpad, s10, s11, s20, s21, s30, s31, c0, c1, Wstack, b.reshape(1, H))


def _dense2_body(a_ref, b_ref, w1_ref, w2_ref, bias_ref, o_ref, *, relu):
    acc = jnp.dot(a_ref[...], w1_ref[...], preferred_element_type=jnp.float32)
    acc = acc + jnp.dot(b_ref[...], w2_ref[...], preferred_element_type=jnp.float32)
    acc = acc + bias_ref[...]
    if relu:
        acc = jnp.maximum(acc, 0.0)
    o_ref[...] = acc


def _dense2(a, b, w1, w2, bias, relu=True):
    n, d1 = a.shape
    d2 = b.shape[1]
    dout = w1.shape[1]
    return pl.pallas_call(
        functools.partial(_dense2_body, relu=relu),
        grid=(n // _ROWS,),
        in_specs=[
            pl.BlockSpec((_ROWS, d1), lambda i: (i, 0)),
            pl.BlockSpec((_ROWS, d2), lambda i: (i, 0)),
            pl.BlockSpec((d1, dout), lambda i: (0, 0)),
            pl.BlockSpec((d2, dout), lambda i: (0, 0)),
            pl.BlockSpec((1, dout), lambda i: (0, 0)),
        ],
        out_specs=pl.BlockSpec((_ROWS, dout), lambda i: (i, 0)),
        out_shape=jax.ShapeDtypeStruct((n, dout), jnp.float32),
    )(a, b, w1, w2, bias.reshape(1, dout))



def _tag(x, src, dst, c0, c1, W, b, n):
    din = x.shape[1]
    xpad = jnp.pad(x, ((0, 0), (0, H - din)))
    Wstack = jnp.concatenate(
        [jnp.pad(W[k], ((0, H - din), (0, 0))) for k in range(4)], axis=0)
    xp = _tag_pre(xpad, c0, c1)
    hops = []
    for k in range(3):
        s0, s1 = _sc_segsum(xp, src, dst, n=n, d=H)
        hops.append((s0, s1))
        if k < 2:
            xp = _tag_hop_scale(s0, s1, c0, c1)
    return _tag_dense(xpad, hops, c0, c1, Wstack, b)


def _sage(x_src, x_dst, src, dst, c0, c1, Wl, Wr, b, n_dst):
    p0, p1 = _sc_segsum(x_src, src, dst, n=n_dst, d=x_src.shape[1])
    return _sage_dense(p0, p1, c0, c1, x_dst, Wl, Wr, b)


def _gat_pre_body(g_ref, s_ref, ws_ref, as_ref, wda_ref, hs_ref, asb_ref,
                  adb_ref):
    hs = jnp.dot(g_ref[...], ws_ref[...], preferred_element_type=jnp.float32)
    hs_ref[...] = hs
    asb_ref[...] = jnp.broadcast_to(
        jnp.sum(hs * as_ref[...], axis=1, keepdims=True), hs.shape)
    adb_ref[...] = jnp.broadcast_to(
        jnp.sum(s_ref[...] * wda_ref[...], axis=1, keepdims=True), hs.shape)


def _gat_pre(g, s, Ws, a_s, wd_ad):
    n = g.shape[0]
    shp = jax.ShapeDtypeStruct((n, H), jnp.float32)
    return pl.pallas_call(
        _gat_pre_body,
        grid=(n // _ROWS,),
        in_specs=[
            pl.BlockSpec((_ROWS, H), lambda i: (i, 0)),
            pl.BlockSpec((_ROWS, H), lambda i: (i, 0)),
            pl.BlockSpec((H, H), lambda i: (0, 0)),
            pl.BlockSpec((1, H), lambda i: (0, 0)),
            pl.BlockSpec((1, H), lambda i: (0, 0)),
        ],
        out_specs=[pl.BlockSpec((_ROWS, H), lambda i: (i, 0))] * 3,
        out_shape=[shp, shp, shp],
    )(g, s, Ws, a_s.reshape(1, H), wd_ad.reshape(1, H))


def _gat_aev_body(ea_ref, we_ref, o_ref):
    prod = jnp.sum(ea_ref[...] * we_ref[...], axis=1)
    o_ref[...] = prod.reshape(o_ref.shape)


def _gat_aev(ea, we):
    e, de = ea.shape
    blk = 1024
    e_pad = (e + blk - 1) // blk * blk
    ea_p = jnp.pad(ea, ((0, e_pad - e), (0, 0)))
    out = pl.pallas_call(
        _gat_aev_body,
        grid=(e_pad // blk,),
        in_specs=[
            pl.BlockSpec((blk, de), lambda i: (i, 0)),
            pl.BlockSpec((1, de), lambda i: (0, 0)),
        ],
        out_specs=pl.BlockSpec((blk // 128, 128), lambda i: (i, 0)),
        out_shape=jax.ShapeDtypeStruct((e_pad // 128, 128), jnp.float32),
    )(ea_p, we.reshape(1, de))
    return out.reshape(-1)[:e]


@jax.jit
def _sc_gat(hs, asrc, adt, aev, src, dst):
    n = NS
    total_e = src.shape[0]
    nb = total_e // _B
    maxit = (nb + _NW - 1) // _NW
    stripe = (n // _NSUB) // 8 * 8
    tail_base = stripe * _NSUB
    tail = n - tail_base
    nv = hs.shape[0]
    mesh = plsc.VectorSubcoreMesh(core_axis_name="c", subcore_axis_name="s")
    oshp = jax.ShapeDtypeStruct((n, H), jnp.float32)

    @functools.partial(
        pl.kernel,
        mesh=mesh,
        out_type=[oshp, oshp, oshp, oshp],
        scratch_types=[
            pltpu.VMEM((_B,), jnp.int32),
            pltpu.VMEM((_B,), jnp.int32),
            pltpu.VMEM((_B, H), jnp.float32),
            pltpu.VMEM((_B,), jnp.float32),
            pltpu.VMEM((_B,), jnp.float32),
            pltpu.VMEM((maxit * _B,), jnp.float32),
            pltpu.VMEM((_B,), jnp.float32),
            pltpu.VMEM((_L,), jnp.float32),
            pltpu.VMEM_SHARED((n, H), jnp.float32),
            pltpu.SemaphoreType.DMA,
        ],
    )
    def k(hs_hbm, asrc_hbm, adt_hbm, aev_hbm, src_hbm, dst_hbm,
          p0, p1, den0, den1,
          idx_s, idx_d, rows, svals, dvals, ew_v, aev_v, ewrow,
          acc, sem):
        c = lax.axis_index("c")
        s = lax.axis_index("s")
        w = s * _NC + c
        base = s * stripe

        def zero_acc():
            _zero_rows(rows, H)
            _fill_stripe(rows, acc, base, stripe)
            if tail:
                @pl.when(s == _NSUB - 1)
                def _():
                    _fill_stripe(rows, acc, tail_base, tail)

        def copy_out(o0, o1):
            @pl.when(c == 0)
            def _():
                pltpu.sync_copy(acc.at[pl.ds(base, stripe)],
                                o0.at[pl.ds(base, stripe)])
                if tail:
                    @pl.when(s == _NSUB - 1)
                    def _():
                        pltpu.sync_copy(acc.at[pl.ds(tail_base, tail)],
                                        o0.at[pl.ds(tail_base, tail)])

            @pl.when(c == 1)
            def _():
                pltpu.sync_copy(acc.at[pl.ds(base, stripe)],
                                o1.at[pl.ds(base, stripe)])
                if tail:
                    @pl.when(s == _NSUB - 1)
                    def _():
                        pltpu.sync_copy(acc.at[pl.ds(tail_base, tail)],
                                        o1.at[pl.ds(tail_base, tail)])

        zero_acc()
        plsc.subcore_barrier()

        def _splat(vec, j, tzero):
            iv = jnp.full((_L,), jnp.int32(j)) + tzero
            return lax.gather(
                vec, iv[:, None],
                lax.GatherDimensionNumbers(offset_dims=(),
                                           collapsed_slice_dims=(0,),
                                           start_index_map=(0,)),
                slice_sizes=(1,),
                mode=lax.GatherScatterMode.PROMISE_IN_BOUNDS)

        def body_a(i, carry):
            t = w + i * _NW

            @pl.when(t < nb)
            def _():
                off = t * _B
                pltpu.sync_copy(src_hbm.at[pl.ds(off, _B)], idx_s)
                pltpu.sync_copy(dst_hbm.at[pl.ds(off, _B)], idx_d)
                pltpu.sync_copy(aev_hbm.at[pl.ds(off, _B)], aev_v)
                pltpu.async_copy(asrc_hbm.at[idx_s], svals, sem).wait()
                pltpu.async_copy(adt_hbm.at[idx_d], dvals, sem).wait()
                tz = (i - i).astype(jnp.int32)
                for jb in range(_B // _L):
                    av = svals[pl.ds(jb * _L, _L)]
                    dv = dvals[pl.ds(jb * _L, _L)]
                    alpha = av + dv + aev_v[pl.ds(jb * _L, _L)]
                    alpha = jnp.maximum(alpha, 0.0) + 0.2 * jnp.minimum(alpha, 0.0)
                    e16 = jnp.exp(alpha)
                    ew_v[pl.ds(i * _B + jb * _L, _L)] = e16
                    for j in range(_L):
                        ewrow[pl.ds(0, _L)] = _splat(e16, j, tz)
                        ebl = ewrow[pl.ds(0, _L)]
                        for kk in range(H // _L):
                            rows[jb * _L + j, pl.ds(kk * _L, _L)] = ebl
                pltpu.sync_copy(rows, acc.at[idx_d], add=True)
            return carry

        lax.fori_loop(0, maxit, body_a, 0)
        plsc.subcore_barrier()
        copy_out(den0, den1)
        plsc.subcore_barrier()
        zero_acc()
        plsc.subcore_barrier()

        def body_b(i, carry):
            t = w + i * _NW

            @pl.when(t < nb)
            def _():
                off = t * _B
                pltpu.sync_copy(src_hbm.at[pl.ds(off, _B)], idx_s)
                pltpu.sync_copy(dst_hbm.at[pl.ds(off, _B)], idx_d)
                pltpu.async_copy(hs_hbm.at[idx_s], rows, sem).wait()
                tz = (i - i).astype(jnp.int32)
                for jb in range(_B // _L):
                    ev = ew_v[pl.ds(i * _B + jb * _L, _L)]
                    for j in range(_L):
                        eb = _splat(ev, j, tz)
                        row = jb * _L + j
                        for kk in range(H // _L):
                            r = rows[row, pl.ds(kk * _L, _L)]
                            rows[row, pl.ds(kk * _L, _L)] = r * eb
                pltpu.sync_copy(rows, acc.at[idx_d], add=True)
            return carry

        lax.fori_loop(0, maxit, body_b, 0)
        plsc.subcore_barrier()
        copy_out(p0, p1)

    return k(hs, asrc, adt, aev, src, dst)


def _gat_final_body(p0_ref, p1_ref, d0_ref, d1_ref, b_ref, o_ref):
    den = d0_ref[...][:, :1] + d1_ref[...][:, :1]
    out = (p0_ref[...] + p1_ref[...]) / jnp.maximum(den, 1e-16)
    o_ref[...] = jnp.maximum(out + b_ref[...], 0.0)


def _gat_final(p0, p1, d0, d1, b):
    n = p0.shape[0]
    return pl.pallas_call(
        _gat_final_body,
        grid=(n // _ROWS,),
        in_specs=[pl.BlockSpec((_ROWS, H), lambda i: (i, 0))] * 4 + [
            pl.BlockSpec((1, H), lambda i: (0, 0))],
        out_specs=pl.BlockSpec((_ROWS, H), lambda i: (i, 0)),
        out_shape=jax.ShapeDtypeStruct((n, H), jnp.float32),
    )(p0, p1, d0, d1, b.reshape(1, H))


def _gat(g, s, ei, ea, Ws, Wd, We, a_s, a_d, a_e, b, n_dst):
    src, dst = ei[0], ei[1]
    wd_ad = Wd @ a_d
    we = We @ a_e
    hs, asb, adb = _gat_pre(g, s, Ws, a_s, wd_ad)
    asrc = asb[:, 0]
    adt = adb[:, 0]
    aev = _gat_aev(ea, we)
    p0, p1, d0, d1 = _sc_gat(hs, asrc, adt, aev, src, dst)
    return _gat_final(p0, p1, d0, d1, b)


def kernel(game_x, state_x, edge_index_v_v, edge_type_v_v, edge_index_history_v_s, edge_attr_history_v_s, edge_index_in_v_s, edge_index_s_s, tag1_W, tag1_b, tag2_W, tag2_b, gv_Wl, gv_Wr, gv_b, sv_Wl, sv_Wr, sv_b, hist_Ws, hist_Wd, hist_We, hist_as, hist_ad, hist_ae, hist_b, in_Wl, in_Wr, in_b, sv2_Wl, sv2_Wr, sv2_b, mlp_W, mlp_b):
    src_vv, dst_vv = edge_index_v_v[0], edge_index_v_v[1]
    src_ss, dst_ss = edge_index_s_s[0], edge_index_s_s[1]
    src_in, dst_in = edge_index_in_v_s[0], edge_index_in_v_s[1]

    cvv0, cvv1 = _sc_counts(dst_vv, NV)
    css0, css1 = _sc_counts(dst_ss, NS)
    cin0, cin1 = _sc_counts(dst_in, NS)

    g = _tag(game_x, src_vv, dst_vv, cvv0, cvv1, tag1_W, tag1_b, NV)
    for i in range(gv_Wl.shape[0]):
        g = _sage(g, g, src_vv, dst_vv, cvv0, cvv1, gv_Wl[i], gv_Wr[i], gv_b[i], NV)
    s = _tag(state_x, src_ss, dst_ss, css0, css1, tag2_W, tag2_b, NS)
    for i in range(sv_Wl.shape[0]):
        s = _sage(s, s, src_ss, dst_ss, css0, css1, sv_Wl[i], sv_Wr[i], sv_b[i], NS)
    hist = _gat(g, s, edge_index_history_v_s, edge_attr_history_v_s, hist_Ws, hist_Wd, hist_We, hist_as, hist_ad, hist_ae, hist_b, NS)
    inx = _sage(g, hist, src_in, dst_in, cin0, cin1, in_Wl, in_Wr, in_b, NS)
    s2 = _sage(inx, inx, src_ss, dst_ss, css0, css1, sv2_Wl[0], sv2_Wr[0], sv2_b[0], NS)
    for i in range(1, sv2_Wl.shape[0]):
        s2 = _sage(s2, s2, src_ss, dst_ss, css0, css1, sv2_Wl[i], sv2_Wr[i], sv2_b[i], NS)
    mlp_Wp = jnp.pad(mlp_W, ((0, 0), (0, H - 1)))
    mlp_bp = jnp.pad(mlp_b, (0, H - 1))
    out = _dense2(s2, s2, mlp_Wp, jnp.zeros((H, H), jnp.float32), mlp_bp,
                  relu=False)
    return out[:, :1]

# --- scband reference (transcript-rebuilt; emitter-appended) ---
"""Pipeline reference for scband-common-model-50826642981332 (READ-ONLY COPY).

The authoritative reference and input builder live on the scoring server;
editing this copy changes nothing except your own understanding.
"""

import jax, jax.numpy as jnp
import numpy as np

H = 128
K = 3
NV = 10000
NS = 10000
E = 320000
DE = 16


def _p(key, shape):
    return jax.random.normal(key, shape, dtype=jnp.float32) * 0.05


def setup_inputs(seed: int = 0):
    key = jax.random.key(seed)
    ks = jax.random.split(key, 40)
    inp = {}
    inp["game_x"] = jax.random.normal(ks[0], (NV, 5), dtype=jnp.float32)
    inp["state_x"] = jax.random.normal(ks[1], (NS, 6), dtype=jnp.float32)
    inp["edge_index_v_v"] = jax.random.randint(ks[2], (2, E), 0, NV, dtype=jnp.int32)
    inp["edge_type_v_v"] = jax.random.randint(ks[3], (E,), 0, 4, dtype=jnp.int32)
    inp["edge_index_history_v_s"] = jax.random.randint(ks[4], (2, E), 0, NS, dtype=jnp.int32)
    inp["edge_attr_history_v_s"] = jax.random.normal(ks[5], (E, DE), dtype=jnp.float32)
    inp["edge_index_in_v_s"] = jax.random.randint(ks[6], (2, E), 0, NS, dtype=jnp.int32)
    inp["edge_index_s_s"] = jax.random.randint(ks[7], (2, E), 0, NS, dtype=jnp.int32)
    inp["tag1_W"] = _p(ks[8], (K + 1, 5, H))
    inp["tag1_b"] = jnp.zeros((H,), jnp.float32)
    inp["tag2_W"] = _p(ks[9], (K + 1, 6, H))
    inp["tag2_b"] = jnp.zeros((H,), jnp.float32)
    inp["gv_Wl"] = _p(ks[10], (2, H, H))
    inp["gv_Wr"] = _p(ks[11], (2, H, H))
    inp["gv_b"] = jnp.zeros((2, H), jnp.float32)
    inp["sv_Wl"] = _p(ks[12], (2, H, H))
    inp["sv_Wr"] = _p(ks[13], (2, H, H))
    inp["sv_b"] = jnp.zeros((2, H), jnp.float32)
    inp["hist_Ws"] = _p(ks[14], (H, H))
    inp["hist_Wd"] = _p(ks[15], (H, H))
    inp["hist_We"] = _p(ks[16], (DE, H))
    inp["hist_as"] = _p(ks[17], (H,))
    inp["hist_ad"] = _p(ks[18], (H,))
    inp["hist_ae"] = _p(ks[19], (H,))
    inp["hist_b"] = jnp.zeros((H,), jnp.float32)
    inp["in_Wl"] = _p(ks[20], (H, H))
    inp["in_Wr"] = _p(ks[21], (H, H))
    inp["in_b"] = jnp.zeros((H,), jnp.float32)
    inp["sv2_Wl"] = _p(ks[22], (2, H, H))
    inp["sv2_Wr"] = _p(ks[23], (2, H, H))
    inp["sv2_b"] = jnp.zeros((2, H), jnp.float32)
    inp["mlp_W"] = _p(ks[24], (H, 1))
    inp["mlp_b"] = jnp.zeros((1,), jnp.float32)
    return inp


def _tag(x, ei, W, b, n):
    src, dst = ei[0], ei[1]
    deg = jax.ops.segment_sum(jnp.ones(ei.shape[1], jnp.float32), dst, num_segments=n)
    dis = jnp.where(deg > 0, 1.0 / jnp.sqrt(jnp.maximum(deg, 1e-12)), 0.0)
    norm = dis[src] * dis[dst]
    out = x @ W[0]
    h = x
    for k in range(1, W.shape[0]):
        h = jax.ops.segment_sum(norm[:, None] * h[src], dst, num_segments=n)
        out = out + h @ W[k]
    return out + b


def _sage(x_src, x_dst, ei, Wl, Wr, b, n_dst):
    src, dst = ei[0], ei[1]
    s = jax.ops.segment_sum(x_src[src], dst, num_segments=n_dst)
    c = jax.ops.segment_sum(jnp.ones((ei.shape[1], 1), jnp.float32), dst, num_segments=n_dst)
    mean = s / jnp.maximum(c, 1.0)
    return mean @ Wl + x_dst @ Wr + b


def _gat(x_src, x_dst, ei, ea, Ws, Wd, We, a_s, a_d, a_e, b, n_dst):
    src, dst = ei[0], ei[1]
    hs = x_src @ Ws
    hd = x_dst @ Wd
    he = ea @ We
    alpha = (hs[src] * a_s).sum(-1) + (hd[dst] * a_d).sum(-1) + (he * a_e).sum(-1)
    alpha = jax.nn.leaky_relu(alpha, 0.2)
    m = jax.ops.segment_max(alpha, dst, num_segments=n_dst)
    m = jnp.where(jnp.isfinite(m), m, 0.0)
    e = jnp.exp(alpha - m[dst])
    den = jax.ops.segment_sum(e, dst, num_segments=n_dst)
    w = e / jnp.maximum(den[dst], 1e-16)
    out = jax.ops.segment_sum(w[:, None] * hs[src], dst, num_segments=n_dst)
    return out + b


def reference(game_x, state_x, edge_index_v_v, edge_type_v_v, edge_index_history_v_s, edge_attr_history_v_s, edge_index_in_v_s, edge_index_s_s, tag1_W, tag1_b, tag2_W, tag2_b, gv_Wl, gv_Wr, gv_b, sv_Wl, sv_Wr, sv_b, hist_Ws, hist_Wd, hist_We, hist_as, hist_ad, hist_ae, hist_b, in_Wl, in_Wr, in_b, sv2_Wl, sv2_Wr, sv2_b, mlp_W, mlp_b):
    g = jax.nn.relu(_tag(game_x, edge_index_v_v, tag1_W, tag1_b, NV))
    for i in range(gv_Wl.shape[0]):
        g = jax.nn.relu(_sage(g, g, edge_index_v_v, gv_Wl[i], gv_Wr[i], gv_b[i], NV))
    s = jax.nn.relu(_tag(state_x, edge_index_s_s, tag2_W, tag2_b, NS))
    for i in range(sv_Wl.shape[0]):
        s = jax.nn.relu(_sage(s, s, edge_index_s_s, sv_Wl[i], sv_Wr[i], sv_b[i], NS))
    hist = jax.nn.relu(_gat(g, s, edge_index_history_v_s, edge_attr_history_v_s, hist_Ws, hist_Wd, hist_We, hist_as, hist_ad, hist_ae, hist_b, NS))
    inx = jax.nn.relu(_sage(g, hist, edge_index_in_v_s, in_Wl, in_Wr, in_b, NS))
    s2 = jax.nn.relu(_sage(inx, inx, edge_index_s_s, sv2_Wl[0], sv2_Wr[0], sv2_b[0], NS))
    for i in range(1, sv2_Wl.shape[0]):
        s2 = jax.nn.relu(_sage(s2, s2, edge_index_s_s, sv2_Wl[i], sv2_Wr[i], sv2_b[i], NS))
    return s2 @ mlp_W + mlp_b

if __name__ == "__main__":
    import jax
    _d = setup_inputs()
    print(jax.jit(kernel)(*tuple(_d.values())))

</pallas_src>

<mosaic_0001>
#map = affine_map<(d0, d1) -> (0, 0)>
#map1 = affine_map<(d0, d1) -> (0)>
module attributes {stable_mosaic.version = 14 : i64} {
  func.func @k(%arg0: i32, %arg1: i32, %arg2: memref<8x128xf32, #tpu.memory_space<hbm>>, %arg3: memref<320000xi32, #tpu.memory_space<hbm>>, %arg4: memref<320000xi32, #tpu.memory_space<hbm>>, %arg5: memref<10000x128xf32, #tpu.memory_space<hbm>>, %arg6: memref<10000x128xf32, #tpu.memory_space<hbm>>, %arg7: memref<128xi32, #tpu.memory_space<vmem>>, %arg8: memref<128xi32, #tpu.memory_space<vmem>>, %arg9: memref<128x128xf32, #tpu.memory_space<vmem>>, %arg10: memref<10000x128xf32, #tpu.memory_space<vmem_shared>>, %arg11: memref<!tpu.dma_semaphore, #tpu.memory_space<semaphore_mem>>) attributes {dimension_semantics = [#tpu.dimension_semantics<core_parallel>, #tpu.dimension_semantics<subcore_parallel>], iteration_bounds = array<i64: 2, 16>, scalar_prefetch = 0 : i64, scratch_operands = 5 : i64, tpu.core_type = #tpu.core_type<sc_vector_subcore>, window_params = [{transform_indices = #map}, {transform_indices = #map1}, {transform_indices = #map1}, {transform_indices = #map}, {transform_indices = #map}]} {
    %mul3A = arith.constant 2 : i32
    %mul3A_0 = arith.muli %arg1, %mul3A : i32
    %add3A = arith.addi %mul3A_0, %arg0 : i32
    %scan3A = arith.constant 0 : i32
    %scan3A_1 = arith.constant 0 : i32
    %scan3A_2 = arith.constant 128 : i32
    %scan3A_3 = arith.addi %scan3A_1, %scan3A_2 : i32
    %scan3A_4 = arith.constant 1 : i32
    scf.for %scan3A_43 = %scan3A_1 to %scan3A_3 step %scan3A_4  : i32 {
      %broadcast_in_dim3A = arith.constant 0.000000e+00 : f32
      %broadcast_in_dim3A_44 = vector.broadcast %broadcast_in_dim3A : f32 to vector<16xf32>
      %swap3A = arith.index_cast %scan3A_43 : i32 to index
      %swap3A_45 = arith.constant 0 : index
      %swap3A_46 = tpu.vector_load %arg9[%swap3A, %swap3A_45] {strides = array<i32>} : memref<128x128xf32, #tpu.memory_space<vmem>>, vector<1x16xf32>,
      %swap3A_47 = vector.shape_cast %swap3A_46 : vector<1x16xf32> to vector<16xf32>
      %swap3A_48 = vector.shape_cast %broadcast_in_dim3A_44 : vector<16xf32> to vector<1x16xf32>
      tpu.vector_store %arg9[%swap3A, %swap3A_45], %swap3A_48 {strides = array<i32>} : memref<128x128xf32, #tpu.memory_space<vmem>>, vector<1x16xf32>,
      %broadcast_in_dim3A_49 = arith.constant 0.000000e+00 : f32
      %broadcast_in_dim3A_50 = vector.broadcast %broadcast_in_dim3A_49 : f32 to vector<16xf32>
      %swap3A_51 = arith.index_cast %scan3A_43 : i32 to index
      %swap3A_52 = arith.constant 16 : index
      %swap3A_53 = tpu.vector_load %arg9[%swap3A_51, %swap3A_52] {strides = array<i32>} : memref<128x128xf32, #tpu.memory_space<vmem>>, vector<1x16xf32>,
      %swap3A_54 = vector.shape_cast %swap3A_53 : vector<1x16xf32> to vector<16xf32>
      %swap3A_55 = vector.shape_cast %broadcast_in_dim3A_50 : vector<16xf32> to vector<1x16xf32>
      tpu.vector_store %arg9[%swap3A_51, %swap3A_52], %swap3A_55 {strides = array<i32>} : memref<128x128xf32, #tpu.memory_space<vmem>>, vector<1x16xf32>,
      %broadcast_in_dim3A_56 = arith.constant 0.000000e+00 : f32
      %broadcast_in_dim3A_57 = vector.broadcast %broadcast_in_dim3A_56 : f32 to vector<16xf32>
      %swap3A_58 = arith.index_cast %scan3A_43 : i32 to index
      %swap3A_59 = arith.constant 32 : index
      %swap3A_60 = tpu.vector_load %arg9[%swap3A_58, %swap3A_59] {strides = array<i32>} : memref<128x128xf32, #tpu.memory_space<vmem>>, vector<1x16xf32>,
      %swap3A_61 = vector.shape_cast %swap3A_60 : vector<1x16xf32> to vector<16xf32>
      %swap3A_62 = vector.shape_cast %broadcast_in_dim3A_57 : vector<16xf32> to vector<1x16xf32>
      tpu.vector_store %arg9[%swap3A_58, %swap3A_59], %swap3A_62 {strides = array<i32>} : memref<128x128xf32, #tpu.memory_space<vmem>>, vector<1x16xf32>,
      %broadcast_in_dim3A_63 = arith.constant 0.000000e+00 : f32
      %broadcast_in_dim3A_64 = vector.broadcast %broadcast_in_dim3A_63 : f32 to vector<16xf32>
      %swap3A_65 = arith.index_cast %scan3A_43 : i32 to index
      %swap3A_66 = arith.constant 48 : index
      %swap3A_67 = tpu.vector_load %arg9[%swap3A_65, %swap3A_66] {strides = array<i32>} : memref<128x128xf32, #tpu.memory_space<vmem>>, vector<1x16xf32>,
      %swap3A_68 = vector.shape_cast %swap3A_67 : vector<1x16xf32> to vector<16xf32>
      %swap3A_69 = vector.shape_cast %broadcast_in_dim3A_64 : vector<16xf32> to vector<1x16xf32>
      tpu.vector_store %arg9[%swap3A_65, %swap3A_66], %swap3A_69 {strides = array<i32>} : memref<128x128xf32, #tpu.memory_space<vmem>>, vector<1x16xf32>,
      %broadcast_in_dim3A_70 = arith.constant 0.000000e+00 : f32
      %broadcast_in_dim3A_71 = vector.broadcast %broadcast_in_dim3A_70 : f32 to vector<16xf32>
      %swap3A_72 = arith.index_cast %scan3A_43 : i32 to index
      %swap3A_73 = arith.constant 64 : index
      %swap3A_74 = tpu.vector_load %arg9[%swap3A_72, %swap3A_73] {strides = array<i32>} : memref<128x128xf32, #tpu.memory_space<vmem>>, vector<1x16xf32>,
      %swap3A_75 = vector.shape_cast %swap3A_74 : vector<1x16xf32> to vector<16xf32>
      %swap3A_76 = vector.shape_cast %broadcast_in_dim3A_71 : vector<16xf32> to vector<1x16xf32>
      tpu.vector_store %arg9[%swap3A_72, %swap3A_73], %swap3A_76 {strides = array<i32>} : memref<128x128xf32, #tpu.memory_space<vmem>>, vector<1x16xf32>,
      %broadcast_in_dim3A_77 = arith.constant 0.000000e+00 : f32
      %broadcast_in_dim3A_78 = vector.broadcast %broadcast_in_dim3A_77 : f32 to vector<16xf32>
      %swap3A_79 = arith.index_cast %scan3A_43 : i32 to index
      %swap3A_80 = arith.constant 80 : index
      %swap3A_81 = tpu.vector_load %arg9[%swap3A_79, %swap3A_80] {strides = array<i32>} : memref<128x128xf32, #tpu.memory_space<vmem>>, vector<1x16xf32>,
      %swap3A_82 = vector.shape_cast %swap3A_81 : vector<1x16xf32> to vector<16xf32>
      %swap3A_83 = vector.shape_cast %broadcast_in_dim3A_78 : vector<16xf32> to vector<1x16xf32>
      tpu.vector_store %arg9[%swap3A_79, %swap3A_80], %swap3A_83 {strides = array<i32>} : memref<128x128xf32, #tpu.memory_space<vmem>>, vector<1x16xf32>,
      %broadcast_in_dim3A_84 = arith.constant 0.000000e+00 : f32
      %broadcast_in_dim3A_85 = vector.broadcast %broadcast_in_dim3A_84 : f32 to vector<16xf32>
      %swap3A_86 = arith.index_cast %scan3A_43 : i32 to index
      %swap3A_87 = arith.constant 96 : index
      %swap3A_88 = tpu.vector_load %arg9[%swap3A_86, %swap3A_87] {strides = array<i32>} : memref<128x128xf32, #tpu.memory_space<vmem>>, vector<1x16xf32>,
      %swap3A_89 = vector.shape_cast %swap3A_88 : vector<1x16xf32> to vector<16xf32>
      %swap3A_90 = vector.shape_cast %broadcast_in_dim3A_85 : vector<16xf32> to vector<1x16xf32>
      tpu.vector_store %arg9[%swap3A_86, %swap3A_87], %swap3A_90 {strides = array<i32>} : memref<128x128xf32, #tpu.memory_space<vmem>>, vector<1x16xf32>,
      %broadcast_in_dim3A_91 = arith.constant 0.000000e+00 : f32
      %broadcast_in_dim3A_92 = vector.broadcast %broadcast_in_dim3A_91 : f32 to vector<16xf32>
      %swap3A_93 = arith.index_cast %scan3A_43 : i32 to index
      %swap3A_94 = arith.constant 112 : index
      %swap3A_95 = tpu.vector_load %arg9[%swap3A_93, %swap3A_94] {strides = array<i32>} : memref<128x128xf32, #tpu.memory_space<vmem>>, vector<1x16xf32>,
      %swap3A_96 = vector.shape_cast %swap3A_95 : vector<1x16xf32> to vector<16xf32>
      %swap3A_97 = vector.shape_cast %broadcast_in_dim3A_92 : vector<16xf32> to vector<1x16xf32>
      tpu.vector_store %arg9[%swap3A_93, %swap3A_94], %swap3A_97 {strides = array<i32>} : memref<128x128xf32, #tpu.memory_space<vmem>>, vector<1x16xf32>,
    }
    %scan3A_5 = arith.constant 128 : i32
    %mul3A_6 = arith.constant 624 : i32
    %mul3A_7 = arith.muli %arg1, %mul3A_6 : i32
    %add3A_8 = arith.constant 0 : i32
    %add3A_9 = arith.addi %mul3A_7, %add3A_8 : i32
    "tpu.region"() ({
      %run_scoped3A = tpu.sem_alloc : memref<!tpu.dma_semaphore, #tpu.memory_space<semaphore_mem>>
      %dma_start3A = arith.constant 0 : i32
      %dma_start3A_43 = tpu.memref_slice %arg10[%add3A_9, %dma_start3A] : memref<10000x128xf32, #tpu.memory_space<vmem_shared>> -> memref<128x128xf32, #tpu.memory_space<vmem_shared>>
      %dma_start3A_44 = arith.constant 0 : i32
      %dma_start3A_45 = tpu.memref_slice %arg10[%add3A_9, %dma_start3A_44] : memref<10000x128xf32, #tpu.memory_space<vmem_shared>> -> memref<128x128xf32, #tpu.memory_space<vmem_shared>>
      tpu.enqueue_dma source(%arg9 : memref<128x128xf32, #tpu.memory_space<vmem>>) target(%dma_start3A_45 : memref<128x128xf32, #tpu.memory_space<vmem_shared>>) target_semaphore(%run_scoped3A : memref<!tpu.dma_semaphore, #tpu.memory_space<semaphore_mem>>)
      %dma_wait3A = arith.constant 0 : i32
      %dma_wait3A_46 = tpu.memref_slice %arg10[%add3A_9, %dma_wait3A] : memref<10000x128xf32, #tpu.memory_space<vmem_shared>> -> memref<128x128xf32, #tpu.memory_space<vmem_shared>>
      %dma_wait3A_47 = arith.constant 0 : i32
      %dma_wait3A_48 = tpu.memref_slice %arg10[%add3A_9, %dma_wait3A_47] : memref<10000x128xf32, #tpu.memory_space<vmem_shared>> -> memref<128x128xf32, #tpu.memory_space<vmem_shared>>
      tpu.wait_dma2 semaphore(%run_scoped3A : memref<!tpu.dma_semaphore, #tpu.memory_space<semaphore_mem>>) src(%arg9 : memref<128x128xf32, #tpu.memory_space<vmem>>) dst(%dma_wait3A_48 : memref<128x128xf32, #tpu.memory_space<vmem_shared>>)
      tpu.yield
    }) : () -> ()
    %add3A_10 = arith.constant 128 : i32
    %add3A_11 = arith.addi %mul3A_7, %add3A_10 : i32
    "tpu.region"() ({
      %run_scoped3A = tpu.sem_alloc : memref<!tpu.dma_semaphore, #tpu.memory_space<semaphore_mem>>
      %dma_start3A = arith.constant 0 : i32
      %dma_start3A_43 = tpu.memref_slice %arg10[%add3A_11, %dma_start3A] : memref<10000x128xf32, #tpu.memory_space<vmem_shared>> -> memref<128x128xf32, #tpu.memory_space<vmem_shared>>
      %dma_start3A_44 = arith.constant 0 : i32
      %dma_start3A_45 = tpu.memref_slice %arg10[%add3A_11, %dma_start3A_44] : memref<10000x128xf32, #tpu.memory_space<vmem_shared>> -> memref<128x128xf32, #tpu.memory_space<vmem_shared>>
      tpu.enqueue_dma source(%arg9 : memref<128x128xf32, #tpu.memory_space<vmem>>) target(%dma_start3A_45 : memref<128x128xf32, #tpu.memory_space<vmem_shared>>) target_semaphore(%run_scoped3A : memref<!tpu.dma_semaphore, #tpu.memory_space<semaphore_mem>>)
      %dma_wait3A = arith.constant 0 : i32
      %dma_wait3A_46 = tpu.memref_slice %arg10[%add3A_11, %dma_wait3A] : memref<10000x128xf32, #tpu.memory_space<vmem_shared>> -> memref<128x128xf32, #tpu.memory_space<vmem_shared>>
      %dma_wait3A_47 = arith.constant 0 : i32
      %dma_wait3A_48 = tpu.memref_slice %arg10[%add3A_11, %dma_wait3A_47] : memref<10000x128xf32, #tpu.memory_space<vmem_shared>> -> memref<128x128xf32, #tpu.memory_space<vmem_shared>>
      tpu.wait_dma2 semaphore(%run_scoped3A : memref<!tpu.dma_semaphore, #tpu.memory_space<semaphore_mem>>) src(%arg9 : memref<128x128xf32, #tpu.memory_space<vmem>>) dst(%dma_wait3A_48 : memref<128x128xf32, #tpu.memory_space<vmem_shared>>)
      tpu.yield
    }) : () -> ()
    %add3A_12 = arith.constant 256 : i32
    %add3A_13 = arith.addi %mul3A_7, %add3A_12 : i32
    "tpu.region"() ({
      %run_scoped3A = tpu.sem_alloc : memref<!tpu.dma_semaphore, #tpu.memory_space<semaphore_mem>>
      %dma_start3A = arith.constant 0 : i32
      %dma_start3A_43 = tpu.memref_slice %arg10[%add3A_13, %dma_start3A] : memref<10000x128xf32, #tpu.memory_space<vmem_shared>> -> memref<128x128xf32, #tpu.memory_space<vmem_shared>>
      %dma_start3A_44 = arith.constant 0 : i32
      %dma_start3A_45 = tpu.memref_slice %arg10[%add3A_13, %dma_start3A_44] : memref<10000x128xf32, #tpu.memory_space<vmem_shared>> -> memref<128x128xf32, #tpu.memory_space<vmem_shared>>
      tpu.enqueue_dma source(%arg9 : memref<128x128xf32, #tpu.memory_space<vmem>>) target(%dma_start3A_45 : memref<128x128xf32, #tpu.memory_space<vmem_shared>>) target_semaphore(%run_scoped3A : memref<!tpu.dma_semaphore, #tpu.memory_space<semaphore_mem>>)
      %dma_wait3A = arith.constant 0 : i32
      %dma_wait3A_46 = tpu.memref_slice %arg10[%add3A_13, %dma_wait3A] : memref<10000x128xf32, #tpu.memory_space<vmem_shared>> -> memref<128x128xf32, #tpu.memory_space<vmem_shared>>
      %dma_wait3A_47 = arith.constant 0 : i32
      %dma_wait3A_48 = tpu.memref_slice %arg10[%add3A_13, %dma_wait3A_47] : memref<10000x128xf32, #tpu.memory_space<vmem_shared>> -> memref<128x128xf32, #tpu.memory_space<vmem_shared>>
      tpu.wait_dma2 semaphore(%run_scoped3A : memref<!tpu.dma_semaphore, #tpu.memory_space<semaphore_mem>>) src(%arg9 : memref<128x128xf32, #tpu.memory_space<vmem>>) dst(%dma_wait3A_48 : memref<128x128xf32, #tpu.memory_space<vmem_shared>>)
      tpu.yield
    }) : () -> ()
    %add3A_14 = arith.constant 384 : i32
    %add3A_15 = arith.addi %mul3A_7, %add3A_14 : i32
    "tpu.region"() ({
      %run_scoped3A = tpu.sem_alloc : memref<!tpu.dma_semaphore, #tpu.memory_space<semaphore_mem>>
      %dma_start3A = arith.constant 0 : i32
      %dma_start3A_43 = tpu.memref_slice %arg10[%add3A_15, %dma_start3A] : memref<10000x128xf32, #tpu.memory_space<vmem_shared>> -> memref<128x128xf32, #tpu.memory_space<vmem_shared>>
      %dma_start3A_44 = arith.constant 0 : i32
      %dma_start3A_45 = tpu.memref_slice %arg10[%add3A_15, %dma_start3A_44] : memref<10000x128xf32, #tpu.memory_space<vmem_shared>> -> memref<128x128xf32, #tpu.memory_space<vmem_shared>>
      tpu.enqueue_dma source(%arg9 : memref<128x128xf32, #tpu.memory_space<vmem>>) target(%dma_start3A_45 : memref<128x128xf32, #tpu.memory_space<vmem_shared>>) target_semaphore(%run_scoped3A : memref<!tpu.dma_semaphore, #tpu.memory_space<semaphore_mem>>)
      %dma_wait3A = arith.constant 0 : i32
      %dma_wait3A_46 = tpu.memref_slice %arg10[%add3A_15, %dma_wait3A] : memref<10000x128xf32, #tpu.memory_space<vmem_shared>> -> memref<128x128xf32, #tpu.memory_space<vmem_shared>>
      %dma_wait3A_47 = arith.constant 0 : i32
      %dma_wait3A_48 = tpu.memref_slice %arg10[%add3A_15, %dma_wait3A_47] : memref<10000x128xf32, #tpu.memory_space<vmem_shared>> -> memref<128x128xf32, #tpu.memory_space<vmem_shared>>
      tpu.wait_dma2 semaphore(%run_scoped3A : memref<!tpu.dma_semaphore, #tpu.memory_space<semaphore_mem>>) src(%arg9 : memref<128x128xf32, #tpu.memory_space<vmem>>) dst(%dma_wait3A_48 : memref<128x128xf32, #tpu.memory_space<vmem_shared>>)
      tpu.yield
    }) : () -> ()
    %add3A_16 = arith.constant 512 : i32
    %add3A_17 = arith.addi %mul3A_7, %add3A_16 : i32
    "tpu.region"() ({
      %run_scoped3A = tpu.sem_alloc : memref<!tpu.dma_semaphore, #tpu.memory_space<semaphore_mem>>
      %dma_start3A = arith.constant 0 : i32
      %dma_start3A_43 = arith.constant 0 : i32
      %dma_start3A_44 = tpu.memref_slice %arg9[%dma_start3A, %dma_start3A_43] : memref<128x128xf32, #tpu.memory_space<vmem>> -> memref<112x128xf32, #tpu.memory_space<vmem>>
      %dma_start3A_45 = arith.constant 0 : i32
      %dma_start3A_46 = tpu.memref_slice %arg10[%add3A_17, %dma_start3A_45] : memref<10000x128xf32, #tpu.memory_space<vmem_shared>> -> memref<112x128xf32, #tpu.memory_space<vmem_shared>>
      %dma_start3A_47 = arith.constant 0 : i32
      %dma_start3A_48 = tpu.memref_slice %arg10[%add3A_17, %dma_start3A_47] : memref<10000x128xf32, #tpu.memory_space<vmem_shared>> -> memref<112x128xf32, #tpu.memory_space<vmem_shared>>
      %dma_start3A_49 = arith.constant 0 : i32
      %dma_start3A_50 = arith.constant 0 : i32
      %dma_start3A_51 = tpu.memref_slice %arg9[%dma_start3A_49, %dma_start3A_50] : memref<128x128xf32, #tpu.memory_space<vmem>> -> memref<112x128xf32, #tpu.memory_space<vmem>>
      tpu.enqueue_dma source(%dma_start3A_51 : memref<112x128xf32, #tpu.memory_space<vmem>>) target(%dma_start3A_48 : memref<112x128xf32, #tpu.memory_space<vmem_shared>>) target_semaphore(%run_scoped3A : memref<!tpu.dma_semaphore, #tpu.memory_space<semaphore_mem>>)
      %dma_wait3A = arith.constant 0 : i32
      %dma_wait3A_52 = arith.constant 0 : i32
      %dma_wait3A_53 = tpu.memref_slice %arg9[%dma_wait3A, %dma_wait3A_52] : memref<128x128xf32, #tpu.memory_space<vmem>> -> memref<112x128xf32, #tpu.memory_space<vmem>>
      %dma_wait3A_54 = arith.constant 0 : i32
      %dma_wait3A_55 = tpu.memref_slice %arg10[%add3A_17, %dma_wait3A_54] : memref<10000x128xf32, #tpu.memory_space<vmem_shared>> -> memref<112x128xf32, #tpu.memory_space<vmem_shared>>
      %dma_wait3A_56 = arith.constant 0 : i32
      %dma_wait3A_57 = tpu.memref_slice %arg10[%add3A_17, %dma_wait3A_56] : memref<10000x128xf32, #tpu.memory_space<vmem_shared>> -> memref<112x128xf32, #tpu.memory_space<vmem_shared>>
      %dma_wait3A_58 = arith.constant 0 : i32
      %dma_wait3A_59 = arith.constant 0 : i32
      %dma_wait3A_60 = tpu.memref_slice %arg9[%dma_wait3A_58, %dma_wait3A_59] : memref<128x128xf32, #tpu.memory_space<vmem>> -> memref<112x128xf32, #tpu.memory_space<vmem>>
      tpu.wait_dma2 semaphore(%run_scoped3A : memref<!tpu.dma_semaphore, #tpu.memory_space<semaphore_mem>>) src(%dma_wait3A_60 : memref<112x128xf32, #tpu.memory_space<vmem>>) dst(%dma_wait3A_57 : memref<112x128xf32, #tpu.memory_space<vmem_shared>>)
      tpu.yield
    }) : () -> ()
    %eq3A = arith.constant 15 : i32
    %eq3A_18 = arith.cmpi eq, %arg1, %eq3A : i32
    %convert_element_type3A = arith.extui %eq3A_18 : i1 to i32
    %cond3A = arith.constant 0 : i32
    %cond3A_19 = arith.cmpi ne, %convert_element_type3A, %cond3A : i32
    scf.if %cond3A_19 {
      "tpu.region"() ({
        %run_scoped3A = tpu.sem_alloc : memref<!tpu.dma_semaphore, #tpu.memory_space<semaphore_mem>>
        %dma_start3A = arith.constant 0 : i32
        %dma_start3A_43 = arith.constant 0 : i32
        %dma_start3A_44 = tpu.memref_slice %arg9[%dma_start3A, %dma_start3A_43] : memref<128x128xf32, #tpu.memory_space<vmem>> -> memref<16x128xf32, #tpu.memory_space<vmem>>
        %dma_start3A_45 = arith.constant 9984 : i32
        %dma_start3A_46 = arith.constant 0 : i32
        %dma_start3A_47 = tpu.memref_slice %arg10[%dma_start3A_45, %dma_start3A_46] : memref<10000x128xf32, #tpu.memory_space<vmem_shared>> -> memref<16x128xf32, #tpu.memory_space<vmem_shared>>
        %dma_start3A_48 = arith.constant 9984 : i32
        %dma_start3A_49 = arith.constant 0 : i32
        %dma_start3A_50 = tpu.memref_slice %arg10[%dma_start3A_48, %dma_start3A_49] : memref<10000x128xf32, #tpu.memory_space<vmem_shared>> -> memref<16x128xf32, #tpu.memory_space<vmem_shared>>
        %dma_start3A_51 = arith.constant 0 : i32
        %dma_start3A_52 = arith.constant 0 : i32
        %dma_start3A_53 = tpu.memref_slice %arg9[%dma_start3A_51, %dma_start3A_52] : memref<128x128xf32, #tpu.memory_space<vmem>> -> memref<16x128xf32, #tpu.memory_space<vmem>>
        tpu.enqueue_dma source(%dma_start3A_53 : memref<16x128xf32, #tpu.memory_space<vmem>>) target(%dma_start3A_50 : memref<16x128xf32, #tpu.memory_space<vmem_shared>>) target_semaphore(%run_scoped3A : memref<!tpu.dma_semaphore, #tpu.memory_space<semaphore_mem>>)
        %dma_wait3A = arith.constant 0 : i32
        %dma_wait3A_54 = arith.constant 0 : i32
        %dma_wait3A_55 = tpu.memref_slice %arg9[%dma_wait3A, %dma_wait3A_54] : memref<128x128xf32, #tpu.memory_space<vmem>> -> memref<16x128xf32, #tpu.memory_space<vmem>>
        %dma_wait3A_56 = arith.constant 9984 : i32
        %dma_wait3A_57 = arith.constant 0 : i32
        %dma_wait3A_58 = tpu.memref_slice %arg10[%dma_wait3A_56, %dma_wait3A_57] : memref<10000x128xf32, #tpu.memory_space<vmem_shared>> -> memref<16x128xf32, #tpu.memory_space<vmem_shared>>
        %dma_wait3A_59 = arith.constant 9984 : i32
        %dma_wait3A_60 = arith.constant 0 : i32
        %dma_wait3A_61 = tpu.memref_slice %arg10[%dma_wait3A_59, %dma_wait3A_60] : memref<10000x128xf32, #tpu.memory_space<vmem_shared>> -> memref<16x128xf32, #tpu.memory_space<vmem_shared>>
        %dma_wait3A_62 = arith.constant 0 : i32
        %dma_wait3A_63 = arith.constant 0 : i32
        %dma_wait3A_64 = tpu.memref_slice %arg9[%dma_wait3A_62, %dma_wait3A_63] : memref<128x128xf32, #tpu.memory_space<vmem>> -> memref<16x128xf32, #tpu.memory_space<vmem>>
        tpu.wait_dma2 semaphore(%run_scoped3A : memref<!tpu.dma_semaphore, #tpu.memory_space<semaphore_mem>>) src(%dma_wait3A_64 : memref<16x128xf32, #tpu.memory_space<vmem>>) dst(%dma_wait3A_61 : memref<16x128xf32, #tpu.memory_space<vmem_shared>>)
        tpu.yield
      }) : () -> ()
    } else {
    }
    %barrier3A = arith.constant 0 : index
    tpu.barrier barrier_id(%barrier3A)
    %scan3A_20 = arith.constant 0 : i32
    %scan3A_21 = arith.constant 0 : i32
    %scan3A_22 = arith.constant 128 : i32
    %scan3A_23 = arith.addi %scan3A_21, %scan3A_22 : i32
    %scan3A_24 = arith.constant 1 : i32
    scf.for %scan3A_43 = %scan3A_21 to %scan3A_23 step %scan3A_24  : i32 {
      %broadcast_in_dim3A = arith.constant 1.000000e+00 : f32
      %broadcast_in_dim3A_44 = vector.broadcast %broadcast_in_dim3A : f32 to vector<16xf32>
      %swap3A = arith.index_cast %scan3A_43 : i32 to index
      %swap3A_45 = arith.constant 0 : index
      %swap3A_46 = tpu.vector_load %arg9[%swap3A, %swap3A_45] {strides = array<i32>} : memref<128x128xf32, #tpu.memory_space<vmem>>, vector<1x16xf32>,
      %swap3A_47 = vector.shape_cast %swap3A_46 : vector<1x16xf32> to vector<16xf32>
      %swap3A_48 = vector.shape_cast %broadcast_in_dim3A_44 : vector<16xf32> to vector<1x16xf32>
      tpu.vector_store %arg9[%swap3A, %swap3A_45], %swap3A_48 {strides = array<i32>} : memref<128x128xf32, #tpu.memory_space<vmem>>, vector<1x16xf32>,
      %broadcast_in_dim3A_49 = arith.constant 1.000000e+00 : f32
      %broadcast_in_dim3A_50 = vector.broadcast %broadcast_in_dim3A_49 : f32 to vector<16xf32>
      %swap3A_51 = arith.index_cast %scan3A_43 : i32 to index
      %swap3A_52 = arith.constant 16 : index
      %swap3A_53 = tpu.vector_load %arg9[%swap3A_51, %swap3A_52] {strides = array<i32>} : memref<128x128xf32, #tpu.memory_space<vmem>>, vector<1x16xf32>,
      %swap3A_54 = vector.shape_cast %swap3A_53 : vector<1x16xf32> to vector<16xf32>
      %swap3A_55 = vector.shape_cast %broadcast_in_dim3A_50 : vector<16xf32> to vector<1x16xf32>
      tpu.vector_store %arg9[%swap3A_51, %swap3A_52], %swap3A_55 {strides = array<i32>} : memref<128x128xf32, #tpu.memory_space<vmem>>, vector<1x16xf32>,
      %broadcast_in_dim3A_56 = arith.constant 1.000000e+00 : f32
      %broadcast_in_dim3A_57 = vector.broadcast %broadcast_in_dim3A_56 : f32 to vector<16xf32>
      %swap3A_58 = arith.index_cast %scan3A_43 : i32 to index
      %swap3A_59 = arith.constant 32 : index
      %swap3A_60 = tpu.vector_load %arg9[%swap3A_58, %swap3A_59] {strides = array<i32>} : memref<128x128xf32, #tpu.memory_space<vmem>>, vector<1x16xf32>,
      %swap3A_61 = vector.shape_cast %swap3A_60 : vector<1x16xf32> to vector<16xf32>
      %swap3A_62 = vector.shape_cast %broadcast_in_dim3A_57 : vector<16xf32> to vector<1x16xf32>
      tpu.vector_store %arg9[%swap3A_58, %swap3A_59], %swap3A_62 {strides = array<i32>} : memref<128x128xf32, #tpu.memory_space<vmem>>, vector<1x16xf32>,
      %broadcast_in_dim3A_63 = arith.constant 1.000000e+00 : f32
      %broadcast_in_dim3A_64 = vector.broadcast %broadcast_in_dim3A_63 : f32 to vector<16xf32>
      %swap3A_65 = arith.index_cast %scan3A_43 : i32 to index
      %swap3A_66 = arith.constant 48 : index
      %swap3A_67 = tpu.vector_load %arg9[%swap3A_65, %swap3A_66] {strides = array<i32>} : memref<128x128xf32, #tpu.memory_space<vmem>>, vector<1x16xf32>,
      %swap3A_68 = vector.shape_cast %swap3A_67 : vector<1x16xf32> to vector<16xf32>
      %swap3A_69 = vector.shape_cast %broadcast_in_dim3A_64 : vector<16xf32> to vector<1x16xf32>
      tpu.vector_store %arg9[%swap3A_65, %swap3A_66], %swap3A_69 {strides = array<i32>} : memref<128x128xf32, #tpu.memory_space<vmem>>, vector<1x16xf32>,
      %broadcast_in_dim3A_70 = arith.constant 1.000000e+00 : f32
      %broadcast_in_dim3A_71 = vector.broadcast %broadcast_in_dim3A_70 : f32 to vector<16xf32>
      %swap3A_72 = arith.index_cast %scan3A_43 : i32 to index
      %swap3A_73 = arith.constant 64 : index
      %swap3A_74 = tpu.vector_load %arg9[%swap3A_72, %swap3A_73] {strides = array<i32>} : memref<128x128xf32, #tpu.memory_space<vmem>>, vector<1x16xf32>,
      %swap3A_75 = vector.shape_cast %swap3A_74 : vector<1x16xf32> to vector<16xf32>
      %swap3A_76 = vector.shape_cast %broadcast_in_dim3A_71 : vector<16xf32> to vector<1x16xf32>
      tpu.vector_store %arg9[%swap3A_72, %swap3A_73], %swap3A_76 {strides = array<i32>} : memref<128x128xf32, #tpu.memory_space<vmem>>, vector<1x16xf32>,
      %broadcast_in_dim3A_77 = arith.constant 1.000000e+00 : f32
      %broadcast_in_dim3A_78 = vector.broadcast %broadcast_in_dim3A_77 : f32 to vector<16xf32>
      %swap3A_79 = arith.index_cast %scan3A_43 : i32 to index
      %swap3A_80 = arith.constant 80 : index
      %swap3A_81 = tpu.vector_load %arg9[%swap3A_79, %swap3A_80] {strides = array<i32>} : memref<128x128xf32, #tpu.memory_space<vmem>>, vector<1x16xf32>,
      %swap3A_82 = vector.shape_cast %swap3A_81 : vector<1x16xf32> to vector<16xf32>
      %swap3A_83 = vector.shape_cast %broadcast_in_dim3A_78 : vector<16xf32> to vector<1x16xf32>
      tpu.vector_store %arg9[%swap3A_79, %swap3A_80], %swap3A_83 {strides = array<i32>} : memref<128x128xf32, #tpu.memory_space<vmem>>, vector<1x16xf32>,
      %broadcast_in_dim3A_84 = arith.constant 1.000000e+00 : f32
      %broadcast_in_dim3A_85 = vector.broadcast %broadcast_in_dim3A_84 : f32 to vector<16xf32>
      %swap3A_86 = arith.index_cast %scan3A_43 : i32 to index
      %swap3A_87 = arith.constant 96 : index
      %swap3A_88 = tpu.vector_load %arg9[%swap3A_86, %swap3A_87] {strides = array<i32>} : memref<128x128xf32, #tpu.memory_space<vmem>>, vector<1x16xf32>,
      %swap3A_89 = vector.shape_cast %swap3A_88 : vector<1x16xf32> to vector<16xf32>
      %swap3A_90 = vector.shape_cast %broadcast_in_dim3A_85 : vector<16xf32> to vector<1x16xf32>
      tpu.vector_store %arg9[%swap3A_86, %swap3A_87], %swap3A_90 {strides = array<i32>} : memref<128x128xf32, #tpu.memory_space<vmem>>, vector<1x16xf32>,
      %broadcast_in_dim3A_91 = arith.constant 1.000000e+00 : f32
      %broadcast_in_dim3A_92 = vector.broadcast %broadcast_in_dim3A_91 : f32 to vector<16xf32>
      %swap3A_93 = arith.index_cast %scan3A_43 : i32 to index
      %swap3A_94 = arith.constant 112 : index
      %swap3A_95 = tpu.vector_load %arg9[%swap3A_93, %swap3A_94] {strides = array<i32>} : memref<128x128xf32, #tpu.memory_space<vmem>>, vector<1x16xf32>,
      %swap3A_96 = vector.shape_cast %swap3A_95 : vector<1x16xf32> to vector<16xf32>
      %swap3A_97 = vector.shape_cast %broadcast_in_dim3A_92 : vector<16xf32> to vector<1x16xf32>
      tpu.vector_store %arg9[%swap3A_93, %swap3A_94], %swap3A_97 {strides = array<i32>} : memref<128x128xf32, #tpu.memory_space<vmem>>, vector<1x16xf32>,
    }
    %scan3A_25 = arith.constant 128 : i32
    %scan3A_26 = arith.constant 0 : i32
    %scan3A_27 = arith.constant 0 : i32
    %scan3A_28 = arith.constant 79 : i32
    %scan3A_29 = arith.addi %scan3A_27, %scan3A_28 : i32
    %scan3A_30 = arith.constant 1 : i32
    scf.for %scan3A_43 = %scan3A_27 to %scan3A_29 step %scan3A_30  : i32 {
      %mul3A_44 = arith.constant 32 : i32
      %mul3A_45 = arith.muli %scan3A_43, %mul3A_44 : i32
      %add3A_46 = arith.addi %add3A, %mul3A_45 : i32
      %lt3A = arith.constant 2500 : i32
      %lt3A_47 = arith.cmpi slt, %add3A_46, %lt3A : i32
      %convert_element_type3A_48 = arith.extui %lt3A_47 : i1 to i32
      %cond3A_49 = arith.constant 0 : i32
      %cond3A_50 = arith.cmpi ne, %convert_element_type3A_48, %cond3A_49 : i32
      scf.if %cond3A_50 {
        %mul3A_51 = arith.constant 128 : i32
        %mul3A_52 = arith.muli %add3A_46, %mul3A_51 : i32
        "tpu.region"() ({
          %run_scoped3A = tpu.sem_alloc : memref<!tpu.dma_semaphore, #tpu.memory_space<semaphore_mem>>
          %dma_start3A = tpu.memref_slice %arg4[%mul3A_52] : memref<320000xi32, #tpu.memory_space<hbm>> -> memref<128xi32, #tpu.memory_space<hbm>>
          %dma_start3A_53 = tpu.memref_slice %arg4[%mul3A_52] : memref<320000xi32, #tpu.memory_space<hbm>> -> memref<128xi32, #tpu.memory_space<hbm>>
          tpu.enqueue_dma source(%dma_start3A_53 : memref<128xi32, #tpu.memory_space<hbm>>) target(%arg8 : memref<128xi32, #tpu.memory_space<vmem>>) target_semaphore(%run_scoped3A : memref<!tpu.dma_semaphore, #tpu.memory_space<semaphore_mem>>)
          %dma_wait3A = tpu.memref_slice %arg4[%mul3A_52] : memref<320000xi32, #tpu.memory_space<hbm>> -> memref<128xi32, #tpu.memory_space<hbm>>
          %dma_wait3A_54 = tpu.memref_slice %arg4[%mul3A_52] : memref<320000xi32, #tpu.memory_space<hbm>> -> memref<128xi32, #tpu.memory_space<hbm>>
          tpu.wait_dma2 semaphore(%run_scoped3A : memref<!tpu.dma_semaphore, #tpu.memory_space<semaphore_mem>>) src(%dma_wait3A_54 : memref<128xi32, #tpu.memory_space<hbm>>) dst(%arg8 : memref<128xi32, #tpu.memory_space<vmem>>)
          tpu.yield
        }) : () -> ()
        "tpu.region"() ({
          %run_scoped3A = tpu.sem_alloc : memref<!tpu.dma_semaphore, #tpu.memory_space<semaphore_mem>>
          %dma_start3A = arith.constant 0 : i32
          %dma_start3A_53 = arith.constant 0 : i32
          %dma_start3A_54 = tpu.memref_slice %arg10[%dma_start3A, %dma_start3A_53] : memref<10000x128xf32, #tpu.memory_space<vmem_shared>> -> memref<10000x128xf32, #tpu.memory_space<vmem_shared>>
          tpu.enqueue_indirect_dma source(%arg9 : memref<128x128xf32, #tpu.memory_space<vmem>>) target(%dma_start3A_54 : memref<10000x128xf32, #tpu.memory_space<vmem_shared>>) offsets(%arg8 : memref<128xi32, #tpu.memory_space<vmem>>) semaphore(%run_scoped3A : memref<!tpu.dma_semaphore, #tpu.memory_space<semaphore_mem>>) {add = true}
          %dma_wait3A = arith.constant 0 : i32
          %dma_wait3A_55 = arith.constant 0 : i32
          %dma_wait3A_56 = tpu.memref_slice %arg10[%dma_wait3A, %dma_wait3A_55] : memref<10000x128xf32, #tpu.memory_space<vmem_shared>> -> memref<10000x128xf32, #tpu.memory_space<vmem_shared>>
          tpu.wait_indirect_dma semaphore(%run_scoped3A : memref<!tpu.dma_semaphore, #tpu.memory_space<semaphore_mem>>) src(%arg9 : memref<128x128xf32, #tpu.memory_space<vmem>>) dst(%dma_wait3A_56 : memref<10000x128xf32, #tpu.memory_space<vmem_shared>>)
          tpu.yield
        }) : () -> ()
      } else {
      }
    }
    %scan3A_31 = arith.constant 79 : i32
    %barrier3A_32 = arith.constant 0 : index
    tpu.barrier barrier_id(%barrier3A_32)
    %eq3A_33 = arith.constant 0 : i32
    %eq3A_34 = arith.cmpi eq, %arg0, %eq3A_33 : i32
    %convert_element_type3A_35 = arith.extui %eq3A_34 : i1 to i32
    %cond3A_36 = arith.constant 0 : i32
    %cond3A_37 = arith.cmpi ne, %convert_element_type3A_35, %cond3A_36 : i32
    scf.if %cond3A_37 {
      "tpu.region"() ({
        %run_scoped3A = tpu.sem_alloc : memref<!tpu.dma_semaphore, #tpu.memory_space<semaphore_mem>>
        %dma_start3A = arith.constant 0 : i32
        %dma_start3A_48 = tpu.memref_slice %arg5[%mul3A_7, %dma_start3A] : memref<10000x128xf32, #tpu.memory_space<hbm>> -> memref<624x128xf32, #tpu.memory_space<hbm>>
        %dma_start3A_49 = arith.constant 0 : i32
        %dma_start3A_50 = tpu.memref_slice %arg10[%mul3A_7, %dma_start3A_49] : memref<10000x128xf32, #tpu.memory_space<vmem_shared>> -> memref<624x128xf32, #tpu.memory_space<vmem_shared>>
        tpu.enqueue_dma source(%dma_start3A_50 : memref<624x128xf32, #tpu.memory_space<vmem_shared>>) target(%dma_start3A_48 : memref<624x128xf32, #tpu.memory_space<hbm>>) target_semaphore(%run_scoped3A : memref<!tpu.dma_semaphore, #tpu.memory_space<semaphore_mem>>)
        %dma_wait3A = arith.constant 0 : i32
        %dma_wait3A_51 = tpu.memref_slice %arg5[%mul3A_7, %dma_wait3A] : memref<10000x128xf32, #tpu.memory_space<hbm>> -> memref<624x128xf32, #tpu.memory_space<hbm>>
        %dma_wait3A_52 = arith.constant 0 : i32
        %dma_wait3A_53 = tpu.memref_slice %arg10[%mul3A_7, %dma_wait3A_52] : memref<10000x128xf32, #tpu.memory_space<vmem_shared>> -> memref<624x128xf32, #tpu.memory_space<vmem_shared>>
        tpu.wait_dma2 semaphore(%run_scoped3A : memref<!tpu.dma_semaphore, #tpu.memory_space<semaphore_mem>>) src(%dma_wait3A_53 : memref<624x128xf32, #tpu.memory_space<vmem_shared>>) dst(%dma_wait3A_51 : memref<624x128xf32, #tpu.memory_space<hbm>>)
        tpu.yield
      }) : () -> ()
      %eq3A_43 = arith.constant 15 : i32
      %eq3A_44 = arith.cmpi eq, %arg1, %eq3A_43 : i32
      %convert_element_type3A_45 = arith.extui %eq3A_44 : i1 to i32
      %cond3A_46 = arith.constant 0 : i32
      %cond3A_47 = arith.cmpi ne, %convert_element_type3A_45, %cond3A_46 : i32
      scf.if %cond3A_47 {
        "tpu.region"() ({
          %run_scoped3A = tpu.sem_alloc : memref<!tpu.dma_semaphore, #tpu.memory_space<semaphore_mem>>
          %dma_start3A = arith.constant 9984 : i32
          %dma_start3A_48 = arith.constant 0 : i32
          %dma_start3A_49 = tpu.memref_slice %arg5[%dma_start3A, %dma_start3A_48] : memref<10000x128xf32, #tpu.memory_space<hbm>> -> memref<16x128xf32, #tpu.memory_space<hbm>>
          %dma_start3A_50 = arith.constant 9984 : i32
          %dma_start3A_51 = arith.constant 0 : i32
          %dma_start3A_52 = tpu.memref_slice %arg10[%dma_start3A_50, %dma_start3A_51] : memref<10000x128xf32, #tpu.memory_space<vmem_shared>> -> memref<16x128xf32, #tpu.memory_space<vmem_shared>>
          tpu.enqueue_dma source(%dma_start3A_52 : memref<16x128xf32, #tpu.memory_space<vmem_shared>>) target(%dma_start3A_49 : memref<16x128xf32, #tpu.memory_space<hbm>>) target_semaphore(%run_scoped3A : memref<!tpu.dma_semaphore, #tpu.memory_space<semaphore_mem>>)
          %dma_wait3A = arith.constant 9984 : i32
          %dma_wait3A_53 = arith.constant 0 : i32
          %dma_wait3A_54 = tpu.memref_slice %arg5[%dma_wait3A, %dma_wait3A_53] : memref<10000x128xf32, #tpu.memory_space<hbm>> -> memref<16x128xf32, #tpu.memory_space<hbm>>
          %dma_wait3A_55 = arith.constant 9984 : i32
          %dma_wait3A_56 = arith.constant 0 : i32
          %dma_wait3A_57 = tpu.memref_slice %arg10[%dma_wait3A_55, %dma_wait3A_56] : memref<10000x128xf32, #tpu.memory_space<vmem_shared>> -> memref<16x128xf32, #tpu.memory_space<vmem_shared>>
          tpu.wait_dma2 semaphore(%run_scoped3A : memref<!tpu.dma_semaphore, #tpu.memory_space<semaphore_mem>>) src(%dma_wait3A_57 : memref<16x128xf32, #tpu.memory_space<vmem_shared>>) dst(%dma_wait3A_54 : memref<16x128xf32, #tpu.memory_space<hbm>>)
          tpu.yield
        }) : () -> ()
      } else {
      }
    } else {
    }
    %eq3A_38 = arith.constant 1 : i32
    %eq3A_39 = arith.cmpi eq, %arg0, %eq3A_38 : i32
    %convert_element_type3A_40 = arith.extui %eq3A_39 : i1 to i32
    %cond3A_41 = arith.constant 0 : i32
    %cond3A_42 = arith.cmpi ne, %convert_element_type3A_40, %cond3A_41 : i32
    scf.if %cond3A_42 {
      "tpu.region"() ({
        %run_scoped3A = tpu.sem_alloc : memref<!tpu.dma_semaphore, #tpu.memory_space<semaphore_mem>>
        %dma_start3A = arith.constant 0 : i32
        %dma_start3A_48 = tpu.memref_slice %arg6[%mul3A_7, %dma_start3A] : memref<10000x128xf32, #tpu.memory_space<hbm>> -> memref<624x128xf32, #tpu.memory_space<hbm>>
        %dma_start3A_49 = arith.constant 0 : i32
        %dma_start3A_50 = tpu.memref_slice %arg10[%mul3A_7, %dma_start3A_49] : memref<10000x128xf32, #tpu.memory_space<vmem_shared>> -> memref<624x128xf32, #tpu.memory_space<vmem_shared>>
        tpu.enqueue_dma source(%dma_start3A_50 : memref<624x128xf32, #tpu.memory_space<vmem_shared>>) target(%dma_start3A_48 : memref<624x128xf32, #tpu.memory_space<hbm>>) target_semaphore(%run_scoped3A : memref<!tpu.dma_semaphore, #tpu.memory_space<semaphore_mem>>)
        %dma_wait3A = arith.constant 0 : i32
        %dma_wait3A_51 = tpu.memref_slice %arg6[%mul3A_7, %dma_wait3A] : memref<10000x128xf32, #tpu.memory_space<hbm>> -> memref<624x128xf32, #tpu.memory_space<hbm>>
        %dma_wait3A_52 = arith.constant 0 : i32
        %dma_wait3A_53 = tpu.memref_slice %arg10[%mul3A_7, %dma_wait3A_52] : memref<10000x128xf32, #tpu.memory_space<vmem_shared>> -> memref<624x128xf32, #tpu.memory_space<vmem_shared>>
        tpu.wait_dma2 semaphore(%run_scoped3A : memref<!tpu.dma_semaphore, #tpu.memory_space<semaphore_mem>>) src(%dma_wait3A_53 : memref<624x128xf32, #tpu.memory_space<vmem_shared>>) dst(%dma_wait3A_51 : memref<624x128xf32, #tpu.memory_space<hbm>>)
        tpu.yield
      }) : () -> ()
      %eq3A_43 = arith.constant 15 : i32
      %eq3A_44 = arith.cmpi eq, %arg1, %eq3A_43 : i32
      %convert_element_type3A_45 = arith.extui %eq3A_44 : i1 to i32
      %cond3A_46 = arith.constant 0 : i32
      %cond3A_47 = arith.cmpi ne, %convert_element_type3A_45, %cond3A_46 : i32
      scf.if %cond3A_47 {
        "tpu.region"() ({
          %run_scoped3A = tpu.sem_alloc : memref<!tpu.dma_semaphore, #tpu.memory_space<semaphore_mem>>
          %dma_start3A = arith.constant 9984 : i32
          %dma_start3A_48 = arith.constant 0 : i32
          %dma_start3A_49 = tpu.memref_slice %arg6[%dma_start3A, %dma_start3A_48] : memref<10000x128xf32, #tpu.memory_space<hbm>> -> memref<16x128xf32, #tpu.memory_space<hbm>>
          %dma_start3A_50 = arith.constant 9984 : i32
          %dma_start3A_51 = arith.constant 0 : i32
          %dma_start3A_52 = tpu.memref_slice %arg10[%dma_start3A_50, %dma_start3A_51] : memref<10000x128xf32, #tpu.memory_space<vmem_shared>> -> memref<16x128xf32, #tpu.memory_space<vmem_shared>>
          tpu.enqueue_dma source(%dma_start3A_52 : memref<16x128xf32, #tpu.memory_space<vmem_shared>>) target(%dma_start3A_49 : memref<16x128xf32, #tpu.memory_space<hbm>>) target_semaphore(%run_scoped3A : memref<!tpu.dma_semaphore, #tpu.memory_space<semaphore_mem>>)
          %dma_wait3A = arith.constant 9984 : i32
          %dma_wait3A_53 = arith.constant 0 : i32
          %dma_wait3A_54 = tpu.memref_slice %arg6[%dma_wait3A, %dma_wait3A_53] : memref<10000x128xf32, #tpu.memory_space<hbm>> -> memref<16x128xf32, #tpu.memory_space<hbm>>
          %dma_wait3A_55 = arith.constant 9984 : i32
          %dma_wait3A_56 = arith.constant 0 : i32
          %dma_wait3A_57 = tpu.memref_slice %arg10[%dma_wait3A_55, %dma_wait3A_56] : memref<10000x128xf32, #tpu.memory_space<vmem_shared>> -> memref<16x128xf32, #tpu.memory_space<vmem_shared>>
          tpu.wait_dma2 semaphore(%run_scoped3A : memref<!tpu.dma_semaphore, #tpu.memory_space<semaphore_mem>>) src(%dma_wait3A_57 : memref<16x128xf32, #tpu.memory_space<vmem_shared>>) dst(%dma_wait3A_54 : memref<16x128xf32, #tpu.memory_space<hbm>>)
          tpu.yield
        }) : () -> ()
      } else {
      }
    } else {
    }
    return
  }
}

</mosaic_0001>

<sc_bundles>
// kernel: _sc_segsum.3.cloned.1.call-start
scs
__scs_entry_jumppad:
0x0: {  	(pc) =	sbr.rel $0x88, $3  }
0x1: {  	(tag) =	ssettag $0x0;
	lr =	simm.s32 $0x1  }
0x2: {  	[smem:$0x3F9E] =	sst lr;
	_ =	strace $0xD0000000  }
0x3: {  	_ = 	snop  }
0x4: {  	_ = 	snop  }
0x5: {  	_ = 	snop  }
0x6: {  	_ = 	snop  }
0x7: {  	_ = 	snop  }
__scs_overlays_trampoline_lowered:
0x8: {  	[smem:$0x3FAD] =	sst s0  }
0x9: {  	[smem:$0x3FAE] =	sst s1  }
0xa: {  	[smem:$0x3FAF] =	sst s2  }
0xb: {  	[smem:$0x3FB0] =	sst s3  }
0xc: {  	[smem:$0x3FB1] =	sst s4  }
0xd: {  	[smem:$0x3FB2] =	sst s5  }
0xe: {  	[smem:$0x3FB3] =	sst s6  }
0xf: {  	[smem:$0x3FB4] =	sst s7  }
0x10: {  	[smem:$0x3FB5] =	sst s8  }
0x11: {  	[smem:$0x3FB6] =	sst s9;
	s0 =	simm.s32 @!p0 $0x0  }
0x12: {  	s1 =	sld [smem:$0x3F9C];
	s0 =	simm.s32 @p0 $0x1  }
0x13: {  	[smem:$0x3FB7] =	sst s0;
	s0 =	simm.s32 @!p1 $0x0  }
0x14: {  	s2 =	sld [smem:$0x3F9B];
	s0 =	simm.s32 @p1 $0x1  }
0x15: {  	[smem:$0x3FB8] =	sst s0;
	s0 =	simm.s32 @!p2 $0x0  }
0x16: {  	s3 =	sld [smem:$0x3FDB];
	s0 =	simm.s32 @p2 $0x1  }
0x17: {  	s4 =	simm.s32 $0x1BF5;
	[smem:$0x3FBA] =	sst s0  }
0x18: {  	s0 =	sld [smem:$0x3F9D];
	_ =	swait.ge [sflag:s4], $0x0  }
0x19: {  	s7 =	sld [smem:$0x3F9E]  }
0x1a: {  	s8 =	sadd.s32 $0xFFFFE003, lr  }
0x1b: {  	s9 =	sadd.s32 $0xFFFFFEF7, lr;
	s5 =	simm.s32 $0xFFFFFFFF;
	p2 =	slt.u32 s8, $0xFFFFF086  }
0x1c: {  	p1 =	slt.u32 s9, $0xF7A;
	s5 =	simm.s32 @!p2 $0x0  }
0x1d: {  	s5 =	simm.s32 @p1 $0x1;
	p0 =	seq.s32 s7, s2  }
0x1e: {  	s7 =	smul.u32 @!p0 $0xF7A, s2;
	p2 =	seq.s32 @!p0 s5, $0x0  }
0x1f: {  	s9 =	smul.u32 $0xF7A, s1;
	s8 =	simm.s32 @!p0 $0x1BF5;
	p2 =	por !p2, p0  }
0x20: {  	[sflag:s8] =	ssyncset.s32 @!p0 $0xFFFFF086;
	s6 =	sadd.s32 @!p0 s3, s7;
	s7 =	simm.s32 @!p0 $0x108  }
0x21: {  	s3 =	sadd.s32 s3, s9;
	s6 =	sadd.s32 @!p0 $0x88, s6;
	s7 =	simm.s32 @p2 $0x1082  }
0x22: {  	[simem:s7], [sflag:s8] =	dma.local @!p0 [hbm:s6], $0xF7A  }
0x23: {  	s9 =	sor.u32 $0xD0000000, s2;
	s6 =	simm.s32 $0x108;
	_ =	swait.ge @!p0 [sflag:s8], $0x0  }
0x24: {  	s3 =	sadd.s32 $0x88, s3;
	s6 =	simm.s32 @!p1 $0x1082;
	[sflag:s4] =	ssyncset.s32 $0xFFFFF086  }
0x25: {  	[simem:s6], [sflag:s4] =	dma.local [hbm:s3], $0xF7A  }
0x26: {  	[smem:$0x3F9E] =	sst s1;
	(tag) =	ssettag s2;
	_ =	strace s9  }
0x27: {  	s1 =	sld [smem:$0x3FAE]  }
0x28: {  	s2 =	sld [smem:$0x3FAF]  }
0x29: {  	s4 =	sld [smem:$0x3FB1]  }
0x2a: {  	p0 =	seq.s32 s5, $0x0;
	s5 =	sld [smem:$0x3FB2]  }
0x2b: {  	s6 =	sld [smem:$0x3FB3]  }
0x2c: {  	s7 =	sld [smem:$0x3FB4]  }
0x2d: {  	s3 =	simm.s32 $0x108;
	s8 =	sld [smem:$0x3FB5]  }
0x2e: {  	s3 =	simm.s32 @!p0 $0x1082;
	s9 =	sld [smem:$0x3FB6]  }
0x2f: {  	lr =	sadd.s32 s0, s3;
	s0 =	sld [smem:$0x3FAD]  }
0x30: {  	s3 =	sld [smem:$0x3FB0]  }
0x31: {  	[smem:$0x3FB9] =	sst s10  }
0x32: {  	s10 =	sld [smem:$0x3FB7];
	_ =	sdelay $0x3  }
0x33: {  	p0 =	seq.s32 s10, $0x1;
	s10 =	sld [smem:$0x3FB9];
	_ =	sdelay $0x3  }
0x34: {  	[smem:$0x3FB9] =	sst s10  }
0x35: {  	s10 =	sld [smem:$0x3FB8];
	_ =	sdelay $0x3  }
0x36: {  	p1 =	seq.s32 s10, $0x1;
	s10 =	sld [smem:$0x3FB9];
	_ =	sdelay $0x3  }
0x37: {  	[smem:$0x3FB9] =	sst s10  }
0x38: {  	s10 =	sld [smem:$0x3FBA]  }
0x39: {  	_ = 	snop;
	(pc) =	sbr.ind lr, $3  }
0x3a: {  	_ = 	snop  }
0x3b: {  	_ = 	snop  }
0x3c: {  	p2 =	seq.s32 s10, $0x1;
	s10 =	sld [smem:$0x3FB9]  }
0x3d: {  	_ =	shalt  }
0x3e: {  	_ =	shalt  }
0x3f: {  	_ =	shalt  }
0x40: {  	_ =	shalt  }
0x41: {  	_ =	shalt  }
0x42: {  	_ =	shalt  }
0x43: {  	_ =	shalt  }
0x44: {  	_ =	shalt  }
0x45: {  	_ =	shalt  }
0x46: {  	_ =	shalt  }
0x47: {  	_ =	shalt  }
0x48: {  	_ =	shalt  }
0x49: {  	_ =	shalt  }
0x4a: {  	_ =	shalt  }
0x4b: {  	_ =	shalt  }
0x4c: {  	_ =	shalt  }
0x4d: {  	_ =	shalt  }
0x4e: {  	_ =	shalt  }
0x4f: {  	_ =	shalt  }
0x50: {  	_ =	shalt  }
0x51: {  	_ =	shalt  }
0x52: {  	_ =	shalt  }
0x53: {  	_ =	shalt  }
0x54: {  	_ =	shalt  }
0x55: {  	_ =	shalt  }
0x56: {  	_ =	shalt  }
0x57: {  	_ =	shalt  }
0x58: {  	_ =	shalt  }
0x59: {  	_ =	shalt  }
0x5a: {  	_ =	shalt  }
0x5b: {  	_ =	shalt  }
0x5c: {  	_ =	shalt  }
0x5d: {  	_ =	shalt  }
0x5e: {  	_ =	shalt  }
0x5f: {  	_ =	shalt  }
0x60: {  	_ =	shalt  }
0x61: {  	_ =	shalt  }
0x62: {  	_ =	shalt  }
0x63: {  	_ =	shalt  }
0x64: {  	_ =	shalt  }
0x65: {  	_ =	shalt  }
0x66: {  	_ =	shalt  }
0x67: {  	_ =	shalt  }
0x68: {  	_ =	shalt  }
0x69: {  	_ =	shalt  }
0x6a: {  	_ =	shalt  }
0x6b: {  	_ =	shalt  }
0x6c: {  	_ =	shalt  }
0x6d: {  	_ =	shalt  }
0x6e: {  	_ =	shalt  }
0x6f: {  	_ =	shalt  }
0x70: {  	_ =	shalt  }
0x71: {  	_ =	shalt  }
0x72: {  	_ =	shalt  }
0x73: {  	_ =	shalt  }
0x74: {  	_ =	shalt  }
0x75: {  	_ =	shalt  }
0x76: {  	_ =	shalt  }
0x77: {  	_ =	shalt  }
0x78: {  	_ =	shalt  }
0x79: {  	_ =	shalt  }
0x7a: {  	_ =	shalt  }
0x7b: {  	_ =	shalt  }
0x7c: {  	_ =	shalt  }
0x7d: {  	_ =	shalt  }
0x7e: {  	_ =	shalt  }
0x7f: {  	_ =	shalt  }
0x80: {  	_ =	shalt  }
0x81: {  	_ =	shalt  }
0x82: {  	_ =	shalt  }
0x83: {  	_ =	shalt  }
0x84: {  	_ =	shalt  }
0x85: {  	_ =	shalt  }
0x86: {  	_ =	shalt  }
0x87: {  	_ =	shalt  }
.Lfunc_end0:
.L_simem_size_0:
called_computation_lowered:
.L_overlay_start_0:
0x88: {  	s2 =	sld [smem:$0x3FD9]  }
0x89: {  	s3 =	sld [smem:$0x3FFE];
	_ =	sdelay $0x1  }
0x8a: {  	s1 =	srdreg.scid  }
0x8b: {  	s0 =	sand.u32 $0x1, s1  }
0x8c: {  	s15 =	sshll.u32 s0, $0xA;
	s2 =	sadd.s32 s3, s2  }
0x8d: {  	s2 =	sadd.s32 s2, s15  }
0x8e: {  	[smem:$0x3FC5] =	sst s2  }
0x8f: {  	_ = 	snop  }
0x90: {  	s2 =	sld [smem:$0x3FD0];
	_ =	sdelay $0x2  }
0x91: {  	s4 =	simm.s32 $0xA;
	s5 =	simm.s32 $0x10;
	s16 =	sld [smem:$0x3FC7]  }
0x92: {  	[smem:s5], [sflag:s4] =	dma.local [hbm:s2], $0x1  }
0x93: {  	_ =	swait.eq [sflag:s4], $0x1  }
0x94: {  	[sflag:s4] =	ssyncset.done $0x0  }
0x95: {  	s17 =	sld [smem:$0x10];
	[sflag:s4] =	ssyncadd.s32 $0xFFFFFFFF  }
0x96: {  	s18 =	sld [smem:$0x11];
	(tm) =	ssettm $0x1  }
0x97: {  	s19 =	sld [smem:$0x3FFB];
	_ =	sdelay $0x3  }
0x98: {  	_ =	strace s19  }
0x99: {  	s5 =	sld [smem:$0x3FFC];
	_ =	sdelay $0x3  }
0x9a: {  	_ =	strace s5  }
0x9b: {  	s5 =	sld [smem:$0x3FFD];
	_ =	sdelay $0x3  }
0x9c: {  	_ =	strace s5  }
0x9d: {  	_ =	strace $0x8FFFFFFF  }
0x9e: {  	s20 =	sld [smem:$0x3FDB];
	_ =	sdelay $0x1  }
0x9f: {  	s6 =	simm.s32 $_scs_section_size  }
0xa0: {  	s7 =	simm.s32 $_size__tile_overlayer_lowered;
	s8 =	simm.s32 $_tile_overlayer_lowered  }
0xa1: {  	s23 =	simm.s32 $0x1BFF;
	s22 =	sshll.u32 s8, $0x1;
	s5 =	sadd.s32 s6, s20  }
0xa2: {  	s9 =	simm.s32 $0x0;
	s21 =	sshll.u32 s7, $0x1;
	s7 =	sadd.s32 s22, s5  }
0xa3: {  	[timem:s9], [sflag:s23] =	dma.local [hbm:s7], s21  }
0xa4: {  	_ =	swait.ge [sflag:s23], s21  }
0xa5: {  	s6 =	ssub.s32 $0x0, s21;
	[sflag:s23] =	ssyncset.done $0x0  }
0xa6: {  	[sflag:s23] =	ssyncadd.s32 s6;
	_ =	sdelay $0x1  }
0xa7: {  	s24 =	simm.s32 $0x1B8B  }
0xa8: {  	_ =	swait.ge [sflag:s24], $0x1  }
0xa9: {  	[sflag:s24] =	ssyncset.done $0x0  }
0xaa: {  	s25 =	simm.s32 $0x1B8E;
	[sflag:s24] =	ssyncadd.s32 $0xFFFFFFFF  }
0xab: {  	s26 =	simm.s32 $execute0_lowered;
	[smem:$0x3FD2] =	sst s25  }
0xac: {  	s6 =	sshll.u32 s26, $0x1;
	_ =	strace $0x80000046;
	[dreg:$0x1] =	wrdreg $0xFFFFFFFF  }
0xad: {  	s28 =	simm.s32 $_size_execute0_lowered;
	s5 =	sadd.s32 s5, s6;
	[dreg:$0x0] =	wrdreg $0x0  }
0xae: {  	s6 =	sshll.u32 s28, $0x1;
	[dreg:$0x2] =	wrdreg s5  }
0xaf: {  	[dreg:$0x3] =	wrdreg s6  }
0xb0: {  	[dreg:$0x4] =	wrdreg $0xC0  }
0xb1: {  	_ =	task [dreg:s9], $0x5FFFF  }
0xb2: {  	[dreg:$0x1] =	wrdreg $0xFFFFFFFF  }
0xb3: {  	[dreg:$0x0] =	wrdreg $0x60  }
0xb4: {  	[dreg:$0x2] =	wrdreg s16  }
0xb5: {  	[dreg:$0x3] =	wrdreg s17  }
0xb6: {  	[dreg:$0x4] =	wrdreg s18  }
0xb7: {  	[dreg:$0x5] =	wrdreg $0x40800  }
0xb8: {  	[dreg:$0x6] =	wrdreg $0x9  }
0xb9: {  	_ =	task.clear_ibuf [dreg:s9], $0x7FFFF;
	_ =	strace $0x90000046  }
0xba: {  	s29 =	simm.s32 $0x9;
	_ =	strace $0x80000048  }
0xbb: {  	_ =	swait.ge [sflag:s29], $0x1  }
0xbc: {  	[sflag:s29] =	ssyncadd.s32 $0xFFFFFFFF  }
0xbd: {  	_ =	strace $0x90000048  }
0xbe: {  	_ =	sfence  }
0xbf: {  	s30 =	sld [smem:$0x0];
	_ =	sdelay $0x2  }
0xc0: {  	s31 =	sshll.u32 s1, $0xD;
	s1 =	sshrl.u32 s1, $0x2  }
0xc1: {  	s3 =	sand.u32 $0x4000, s31;
	s1 =	sadd.s32 s1, s30  }
0xc2: {  	s0 =	sor.u32 s3, s0;
	s1 =	sshll.u32 s1, $0x11  }
0xc3: {  	s0 =	sor.u32 s1, s0  }
0xc4: {  	s0 =	sadd.s32 $0x8F2B, s0  }
0xc5: {  	[sflag:s0] =	ssyncadd.remote.s32 $0x1  }
0xc6: {  	_ =	sfence.sel $0xFFFF  }
0xc7: {  	[dreg:$0x0] =	wrdreg $0xFFFFFFFF;
	(pc) =	sbr.abs _section_cstart, $3  }
0xc8: {  	[dreg:$0x1] =	wrdreg $0xFFFFFFFF  }
0xc9: {  	_ =	task.clear_ibuf [dreg:s9], $0x2FFFF;
	_ =	strace $0x9FFFFFFF  }
0xca: {  	(tm) =	ssettm $0x7FFFFFFF  }
0xcb: {  	_ =	shalt  }
tec
execute0_lowered:
.L_overlay_start_1:
0x0: {  	(tag) =	ssettag $0x1  }
0x1: {  	s15 =	rddreg [dreg:$0x0]  }
0x2: {  	s1 =	rddreg [dreg:$0x1]  }
0x3: {  	s3 =	rddreg [dreg:$0x2]  }
0x4: {  	s4 =	rddreg [dreg:$0x3]  }
0x5: {  	s0 =	rddreg [dreg:$0x4]  }
0x6: {  	s6 =	srdreg.scid;
	s2 =	stileid.u32  }
0x7: {  	s5 =	simm.s32 $0x0;
	s16 =	sand.u32 $0x1, s6;
	s31 =	smul.u32 $0x4E000, s2  }
0x8: {  	[smem:$0x7FF] =	sst s5;
	s6 =	sshll.u32 s2, $0x1;
	s14 =	smul.u32 $0x2700, s2  }
0x9: {  	s12 =	sadd.s32 $0x138000, s4;
	s18 =	sshll.u32 s2, $0x5;
	p1 =	sne.s32 s2, $0xF  }
0xa: {  	p2 =	seq.s32 s2, $0xF;
	s7 =	ssub.s32 $0x2, s16;
	_ =	strace $0x80000047  }
0xb: {  	p0 =	seq.s32 s16, $0x1;
	s18 =	sadd.s32 s18, s15;
	s16 =	sshll.u32 s16, $0x4  }
.Ltmp0:
0xc: {  	s8 =	sshrl.u32 s7, $0x1;
	s9 =	sshrl.u32 s31, $0x2;
	(pc) =	sbr.rel .LBB2_1-.Ltmp0, $4  }
0xd: {  	s13 =	sadd.s32 s1, s14;
	s14 =	sadd.s32 s3, s14;
	s16 =	sadd.s32 s16, s18  }
0xe: {  	s18 =	simm.s32 $0x1;
	s17 =	ssub.s32 s7, s8;
	s7 =	sadd.s32 s9, s4  }
0xf: {  	s8 =	sadd.s32 $0x4000, s7;
	s9 =	sadd.s32 $0x8000, s7;
	s10 =	sadd.s32 $0xC000, s7  }
0x10: {  	v0 =	vimm.f32 $0.0e+00;
	v1 =	vimm.f32 $1.000000000e+00;
	s11 =	sadd.s32 $0x10000, s7;
	s15 =	smax.u32 s17, $0x1;
	s17 =	simm.s32 $0x80  }
.LBB2_10:
0x11: {  	s20 =	sadd.s32 $0x27000, s20;
	s21 =	sshrl.u32 s12, $0x3  }
0x12: {  	[hbm:s20], [sflag:s19] =	dma.local [spmem:s21], $0x100  }
0x13: {  	_ =	swait.ge [sflag:s18], $0x100  }
0x14: {  	[sflag:s18] =	ssyncset.done $0x0  }
0x15: {  	[sflag:s18] =	ssyncadd.s32 $0xFFFFFF00  }
.LBB2_11:
0x16: {  	s5 =	sadd.s32 $0x1, s5  }
0x17: {  	p3 =	sne.s32 s5, s15  }
.Ltmp1:
0x18: {  	_ = 	snop;
	(pc) =	sbr.rel @!p3 .LBB2_12-.Ltmp1, $1  }
0x19: {  	_ =	sdelay $0x3  }
.LBB2_1:
0x1a: {  	s19 =	simm.s32 $0x0;
	s20 =	simm.s32 $0x200  }
.LBB2_2:
0x1b: {  	p3 =	sne.s32 s20, $0xFE00;
	[tilespmem:s19+$0xF0] =	vst v0  }
0x1c: {  	[tilespmem:s19+$0x80] =	vst v0  }
0x1d: {  	[tilespmem:s19+$0x90] =	vst v0  }
.Ltmp2:
0x1e: {  	[tilespmem:s19+$0xA0] =	vst v0;
	(pc) =	sbr.rel @p3 .LBB2_2-.Ltmp2, $4  }
0x1f: {  	[tilespmem:s19+$0xB0] =	vst v0  }
0x20: {  	[tilespmem:s19+$0xC0] =	vst v0  }
0x21: {  	[tilespmem:s19+$0xD0] =	vst v0  }
0x22: {  	[tilespmem:s19+$0xE0] =	vst v0;
	s19 =	sshra.s32 s20, $0x2;
	s20 =	sadd.s32 $0x200, s20  }
0x23: {  	[tilespmem:s19+$0xF0] =	vst v0  }
0x24: {  	[tilespmem:s19+$0x80] =	vst v0  }
0x25: {  	[tilespmem:s19+$0x90] =	vst v0  }
0x26: {  	[tilespmem:s19+$0xA0] =	vst v0  }
0x27: {  	[tilespmem:s19+$0xB0] =	vst v0  }
0x28: {  	[tilespmem:s19+$0xC0] =	vst v0  }
0x29: {  	[tilespmem:s19+$0xD0] =	vst v0  }
0x2a: {  	[tilespmem:s19+$0xE0] =	vst v0  }
0x2b: {  	[spmem:s7] =	stream.linear.scatter [tilespmem:s17], [sflag:$0x1], $0x4000, $0x38;
	[tilespmem:$0x17900] =	vst v63  }
0x2c: {  	_ =	swait.ge [sflag:s18], $0x4000  }
0x2d: {  	[sflag:s18] =	ssyncset.done $0x0  }
0x2e: {  	[sflag:s18] =	ssyncadd.s32 $0xFFFFC000  }
0x2f: {  	[spmem:s8] =	stream.linear.scatter [tilespmem:s17], [sflag:$0x1], $0x4000, $0x38;
	[tilespmem:$0x17900] =	vst v63  }
0x30: {  	_ =	swait.ge [sflag:s18], $0x4000  }
0x31: {  	[sflag:s18] =	ssyncset.done $0x0  }
0x32: {  	[sflag:s18] =	ssyncadd.s32 $0xFFFFC000  }
0x33: {  	[spmem:s9] =	stream.linear.scatter [tilespmem:s17], [sflag:$0x1], $0x4000, $0x38;
	[tilespmem:$0x17900] =	vst v63  }
0x34: {  	_ =	swait.ge [sflag:s18], $0x4000  }
0x35: {  	[sflag:s18] =	ssyncset.done $0x0  }
0x36: {  	[sflag:s18] =	ssyncadd.s32 $0xFFFFC000  }
0x37: {  	[spmem:s10] =	stream.linear.scatter [tilespmem:s17], [sflag:$0x1], $0x4000, $0x38;
	[tilespmem:$0x17900] =	vst v63  }
0x38: {  	_ =	swait.ge [sflag:s18], $0x4000  }
0x39: {  	[sflag:s18] =	ssyncset.done $0x0  }
0x3a: {  	[sflag:s18] =	ssyncadd.s32 $0xFFFFC000  }
0x3b: {  	[spmem:s11] =	stream.linear.scatter [tilespmem:s17], [sflag:$0x1], $0x3800, $0x38;
	[tilespmem:$0x17900] =	vst v63  }
0x3c: {  	_ =	swait.ge [sflag:s18], $0x3800  }
0x3d: {  	[sflag:s18] =	ssyncset.done $0x0  }
0x3e: {  	s19 =	simm.s32 @!p1 $0x80;
	[sflag:s18] =	ssyncadd.s32 $0xFFFFC800  }
0x3f: {  	[spmem:s12] =	stream.linear.scatter @!p1 [tilespmem:s19], [sflag:$0x1], $0x800, $0x38;
	[tilespmem:$0x17900] =	vst v63  }
0x40: {  	s19 =	simm.s32 @!p1 $0x1  }
0x41: {  	_ =	swait.ge @!p1 [sflag:s19], $0x800  }
0x42: {  	[sflag:s19] =	ssyncset.done @!p1 $0x0  }
0x43: {  	[sflag:s19] =	ssyncadd.s32 @!p1 $0xFFFFF800  }
0x44: {  	s20 =	simm.s32 $0x200;
	s19 =	simm.s32 $0x0;
	[bflag:$0x0] =	sbarrier.arrive $0xFFFF  }
.LBB2_4:
0x45: {  	p3 =	sne.s32 s20, $0xFE00;
	[tilespmem:s19+$0xF0] =	vst v1  }
0x46: {  	[tilespmem:s19+$0x80] =	vst v1  }
0x47: {  	[tilespmem:s19+$0x90] =	vst v1  }
.Ltmp3:
0x48: {  	[tilespmem:s19+$0xA0] =	vst v1;
	(pc) =	sbr.rel @p3 .LBB2_4-.Ltmp3, $4  }
0x49: {  	[tilespmem:s19+$0xB0] =	vst v1  }
0x4a: {  	[tilespmem:s19+$0xC0] =	vst v1  }
0x4b: {  	[tilespmem:s19+$0xD0] =	vst v1  }
0x4c: {  	[tilespmem:s19+$0xE0] =	vst v1;
	s19 =	sshra.s32 s20, $0x2;
	s20 =	sadd.s32 $0x200, s20  }
0x4d: {  	[tilespmem:s19+$0xF0] =	vst v1  }
0x4e: {  	[tilespmem:s19+$0x80] =	vst v1  }
0x4f: {  	[tilespmem:s19+$0x90] =	vst v1  }
0x50: {  	[tilespmem:s19+$0xA0] =	vst v1  }
0x51: {  	[tilespmem:s19+$0xB0] =	vst v1  }
0x52: {  	[tilespmem:s19+$0xC0] =	vst v1;
	s20 =	sadd.s32 $0x0, s6  }
0x53: {  	[tilespmem:s19+$0xD0] =	vst v1;
	p3 =	sgt.u32 s20, $0x9C3  }
0x54: {  	[tilespmem:s19+$0xE0] =	vst v1;
	s20 =	simm.s32 @!p3 $0x0;
	s21 =	simm.s32 @!p3 $0x2  }
0x55: {  	[tilespmem:s20], [sflag:$0x2] =	stream.linear.gather @!p3 [hbm4b:s16+s20], $0x80, $0x38;
	[tilespmem:$0x17900] =	vst v63  }
0x56: {  	_ =	swait.ge @!p3 [sflag:s21], $0x80  }
0x57: {  	s19 =	simm.s32 $0x40;
	[sflag:s21] =	ssyncset.done @!p3 $0x0  }
0x58: {  	s22 =	simm.s32 @!p3 $0x80;
	[sflag:s21] =	ssyncadd.s32 @!p3 $0xFFFFFF80;
	s21 =	simm.s32 @!p3 $0x1  }
0x59: {  	[spmem:s4] =	stream.indirect.scatter.add.f32 @!p3 [tilespmem:s22], [sflag:$0x1], $0x80, s20, s22, $0xb8;
	[tilespmem:$0x17900] =	vst v63  }
0x5a: {  	s31 =	sadd.s32 $0x20, s6;
	p4 =	por p3, p3;
	_ =	swait.ge @!p3 [sflag:s21], $0x4000  }
0x5b: {  	s20 =	sadd.s32 $0x200, s16;
	p3 =	sgt.u32 s31, $0x9C3;
	[sflag:s21] =	ssyncset.done @!p4 $0x0  }
.LBB2_6:
0x5c: {  	s22 =	simm.s32 @!p3 $0x0;
	s23 =	simm.s32 @!p3 $0x2  }
0x5d: {  	[sflag:s21] =	ssyncadd.s32 @!p4 $0xFFFFC000;
	s24 =	smov.u32 s19;
	s19 =	sadd.s32 $0x20, s19  }
0x5e: {  	[tilespmem:s22], [sflag:$0x2] =	stream.linear.gather @!p3 [hbm4b:s20+s22], $0x80, $0x38;
	[tilespmem:$0x17900] =	vst v63  }
0x5f: {  	p5 =	sne.s32 s19, $0x9E0;
	_ =	swait.ge @!p3 [sflag:s23], $0x80  }
.Ltmp4:
0x60: {  	[sflag:s23] =	ssyncset.done @!p3 $0x0;
	(pc) =	sbr.rel @p5 .LBB2_6-.Ltmp4, $4  }
0x61: {  	s21 =	simm.s32 @!p3 $0x1;
	[sflag:s23] =	ssyncadd.s32 @!p3 $0xFFFFFF80;
	s23 =	simm.s32 @!p3 $0x80  }
0x62: {  	[spmem:s4] =	stream.indirect.scatter.add.f32 @!p3 [tilespmem:s23], [sflag:$0x1], $0x80, s22, s23, $0xb8;
	[tilespmem:$0x17900] =	vst v63  }
0x63: {  	p4 =	por p3, p3;
	s22 =	sadd.s32 s24, s6;
	_ =	swait.ge @!p3 [sflag:s21], $0x4000  }
0x64: {  	s20 =	sadd.s32 $0x200, s20;
	p3 =	sgt.u32 s22, $0x9C3;
	[sflag:s21] =	ssyncset.done @!p4 $0x0  }
0x65: {  	s19 =	simm.s32 @!p3 $0x0;
	s22 =	simm.s32 @!p3 $0x2;
	[sflag:s21] =	ssyncadd.s32 @!p4 $0xFFFFC000  }
0x66: {  	[tilespmem:s19], [sflag:$0x2] =	stream.linear.gather @!p3 [hbm4b:s20+s19], $0x80, $0x38;
	[tilespmem:$0x17900] =	vst v63  }
0x67: {  	_ =	swait.ge @!p3 [sflag:s22], $0x80  }
0x68: {  	[sflag:s22] =	ssyncset.done @!p3 $0x0  }
0x69: {  	s21 =	simm.s32 @!p3 $0x1;
	s20 =	simm.s32 @!p3 $0x80;
	[sflag:s22] =	ssyncadd.s32 @!p3 $0xFFFFFF80  }
0x6a: {  	[spmem:s4] =	stream.indirect.scatter.add.f32 @!p3 [tilespmem:s20], [sflag:$0x1], $0x80, s19, s20, $0xb8;
	[tilespmem:$0x17900] =	vst v63  }
.Ltmp5:
0x6b: {  	_ =	swait.ge @!p3 [sflag:s21], $0x4000;
	p3 =	por p3, p3;
	(pc) =	sbr.rel @!p0 .LBB2_8-.Ltmp5, $4  }
0x6c: {  	[sflag:s21] =	ssyncset.done @!p3 $0x0  }
0x6d: {  	[sflag:s21] =	ssyncadd.s32 @!p3 $0xFFFFC000  }
0x6e: {  	s21 =	sshll.u32 s2, $0x6;
	[bflag:$0x0] =	sbarrier.arrive $0xFFFF  }
0x6f: {  	s20 =	sshrl.u32 s7, $0x3;
	s19 =	sor.u32 $0x1C01, s21  }
0x70: {  	s19 =	sor.u32 $0x1C01, s21  }
0x71: {  	[hbm:s14], [sflag:s19] =	dma.local [spmem:s20], $0x2700  }
.Ltmp6:
0x72: {  	_ = 	snop;
	(pc) =	sbr.rel @p1 .LBB2_11-.Ltmp6, $4  }
.Ltmp7:
0x73: {  	_ = 	snop;
	(pc) =	sbr.rel @!p1 .LBB2_10-.Ltmp7, $4  }
0x74: {  	_ =	swait.ge [sflag:s18], $0x2700  }
0x75: {  	[sflag:s18] =	ssyncset.done $0x0  }
0x76: {  	s20 =	smov.u32 s3;
	[sflag:s18] =	ssyncadd.s32 $0xFFFFD900  }
0x77: {  	_ = 	snop  }
.LBB2_8:
0x78: {  	[hbm:s13], [sflag:s19] =	dma.local [spmem:s20], $0x2700  }
.Ltmp8:
0x79: {  	_ = 	snop;
	(pc) =	sbr.rel @p2 .LBB2_10-.Ltmp8, $4  }
.Ltmp9:
0x7a: {  	_ = 	snop;
	(pc) =	sbr.rel @!p2 .LBB2_11-.Ltmp9, $4  }
0x7b: {  	_ =	swait.ge [sflag:s18], $0x2700  }
0x7c: {  	[sflag:s18] =	ssyncset.done $0x0  }
0x7d: {  	s20 =	smov.u32 s1;
	[sflag:s18] =	ssyncadd.s32 $0xFFFFD900  }
0x7e: {  	_ = 	snop  }
.LBB2_12:
0x7f: {  	_ =	sfence.sel $0x180000  }
0x80: {  	[bflag:$0x0] =	sbarrier.arrive $0xFFFF  }
0x81: {  	p0 =	sne.s32 s2, $0x0;
	_ =	strace $0x90000047  }
0x82: {  	s0 =	sadd.s32 @!p0 $0x100000, s0;
	[bflag:$0x2] =	sbarrier.arrive $0xFFFF  }
0x83: {  	[sflag:s0] =	ssyncadd.tile.s32 @!p0 $0x1;
	_ =	shalt  }
.Lfunc_end2:
_tile_overlayer_lowered:
.L_overlay_start_2:
0x84: {  	(tag) =	ssettag $0x2  }
0x85: {  	s0 =	rddreg [dreg:$0x0];
	s2 =	stileid.u32  }
0x86: {  	s1 =	rddreg [dreg:$0x1];
	p0 =	sne.s32 s2, $0x0  }
0x87: {  	s3 =	rddreg [dreg:$0x2];
	[bflag:$0x3] =	sbarrier.arrive $0xFFFF;
	s2 =	simm.s32 @!p0 $0x1C01  }
0x88: {  	[timem:s3], [sflag:s2] =	dma.local @!p0 [hbm:s0], s1  }
0x89: {  	s0 =	simm.s32 @!p0 $0x1  }
0x8a: {  	_ =	swait.ge @!p0 [sflag:s0], s1  }
0x8b: {  	s1 =	ssub.s32 @!p0 $0x0, s1;
	[sflag:s0] =	ssyncset.done @!p0 $0x0  }
0x8c: {  	[sflag:s0] =	ssyncadd.s32 @!p0 s1  }
0x8d: {  	[bflag:$0x3] =	sbarrier.arrive $0xFFFF  }
0x8e: {  	_ =	shalt  }

</sc_bundles>
